<compile_context>
chip_gen: v7x
topology: tpu7x:2x2x1
jax: 0.10.2.dev20260603
libtpu: 0.0.44.dev20260713+nightly
codegen_flags: <defaults>
</compile_context>

<pallas_src>
import functools

import jax
import jax.numpy as jnp
from jax import lax
from jax.experimental import pallas as pl
from jax.experimental.pallas import tpu as pltpu
from jax.experimental.pallas import tpu_sc as plsc

_BT = 32768
_D = 64
_NW = 32
_ROWS_W = _BT // _NW
_CHUNK = 512
_NCHUNK = _ROWS_W // _CHUNK
_IM = 128
_JPC = _CHUNK // _IM
_LMBDA = 0.01


def _sc_gather_score(entity_emb, relation_emb, h_idx, t_idx, r_idx):
    mesh = plsc.VectorSubcoreMesh(core_axis_name="c", subcore_axis_name="s")

    @functools.partial(
        pl.kernel,
        mesh=mesh,
        compiler_params=pltpu.CompilerParams(
            needs_layout_passes=False, use_tc_tiling_on_sc=False),
        out_type=[
            jax.ShapeDtypeStruct((_BT,), jnp.float32),
            jax.ShapeDtypeStruct((_NW, 16), jnp.float32),
        ],
        scratch_types=[
            pltpu.VMEM((_JPC, _IM), jnp.int32),
            pltpu.VMEM((_JPC, _IM), jnp.int32),
            pltpu.VMEM((_JPC, _IM), jnp.int32),
            pltpu.VMEM((_CHUNK, _D), jnp.float32),
            pltpu.VMEM((_CHUNK, _D), jnp.float32),
            pltpu.VMEM((_CHUNK, _D), jnp.float32),
            pltpu.VMEM((_CHUNK,), jnp.float32),
            pltpu.VMEM((256,), jnp.float32),
            pltpu.VMEM((16,), jnp.float32),
            pltpu.SemaphoreType.DMA,
        ],
    )
    def k(ent_hbm, rel_hbm, hidx_hbm, tidx_hbm, ridx_hbm,
          scores_out, sumsq_out,
          hidx_v, tidx_v, ridx_v, hrows, trows, rrows, scores_v, pbuf, sq_v,
          sem):
        wid = lax.axis_index("s") * 2 + lax.axis_index("c")
        lane = lax.iota(jnp.int32, 16)
        sq = jnp.zeros((16,), jnp.float32)
        for c in range(_NCHUNK):
            row0 = wid * (_ROWS_W // _IM) + c * _JPC
            pltpu.sync_copy(hidx_hbm.at[pl.ds(row0, _JPC)], hidx_v)
            pltpu.sync_copy(tidx_hbm.at[pl.ds(row0, _JPC)], tidx_v)
            pltpu.sync_copy(ridx_hbm.at[pl.ds(row0, _JPC)], ridx_v)
            copies = []
            for j in range(_JPC):
                dst = pl.ds(j * _IM, _IM)
                copies.append(pltpu.async_copy(
                    ent_hbm.at[hidx_v.at[j]], hrows.at[dst], sem))
                copies.append(pltpu.async_copy(
                    ent_hbm.at[tidx_v.at[j]], trows.at[dst], sem))
                copies.append(pltpu.async_copy(
                    rel_hbm.at[ridx_v.at[j]], rrows.at[dst], sem))
            for cp in copies:
                cp.wait()

            def outer(bi, sq):
                def rowfn(i, sq):
                    row = bi * 16 + i
                    hr = hrows.at[row]
                    tr = trows.at[row]
                    rr = rrows.at[row]
                    p = jnp.zeros((16,), jnp.float32)
                    for g in range(_D // 16):
                        seg = pl.ds(g * 16, 16)
                        hv = hr[seg]
                        tv = tr[seg]
                        rv = rr[seg]
                        p = p + hv * tv * rv
                        sq = sq + hv * hv + tv * tv + rv * rv
                    pbuf[pl.ds(i * 16, 16)] = p
                    return sq

                sq = lax.fori_loop(0, 16, rowfn, sq)
                acc = jnp.zeros((16,), jnp.float32)
                for j in range(16):
                    acc = acc + plsc.load_gather(pbuf, [lane * 16 + j])
                scores_v[pl.ds(bi * 16, 16)] = acc
                return sq

            sq = lax.fori_loop(0, _CHUNK // 16, outer, sq)
            pltpu.sync_copy(
                scores_v,
                scores_out.at[pl.ds(wid * _ROWS_W + c * _CHUNK, _CHUNK)])
        sq_v[...] = sq
        pltpu.sync_copy(sq_v, sumsq_out.at[wid])

    return k(entity_emb, relation_emb, h_idx, t_idx, r_idx)


def _tc_finalize(scores2d, sumsq2d):
    nrow = scores2d.shape[0]

    def body(s_ref, q_ref, o_ref):
        s = s_ref[...]
        row = lax.broadcasted_iota(jnp.int32, s.shape, 0)
        y = jnp.where(row < nrow // 2, 1.0, -1.0).astype(jnp.float32)
        z = -s * y
        sp = jnp.maximum(z, 0.0) + jnp.log1p(jnp.exp(-jnp.abs(z)))
        regul = jnp.sum(q_ref[...]) / float(_BT * _D)
        o_ref[0, 0] = jnp.sum(sp) / float(_BT) + _LMBDA * regul

    out = pl.pallas_call(
        body,
        out_shape=jax.ShapeDtypeStruct((1, 1), jnp.float32),
        out_specs=pl.BlockSpec(memory_space=pltpu.SMEM),
    )(scores2d, sumsq2d)
    return out


def kernel(pos_h, pos_r, pos_t, neg_h, neg_r, neg_t, entity_emb, relation_emb):
    h_idx = jnp.concatenate([pos_h, neg_h]).reshape(_BT // _IM, _IM)
    t_idx = jnp.concatenate([pos_t, neg_t]).reshape(_BT // _IM, _IM)
    r_idx = jnp.concatenate([pos_r[:, 0], neg_r[:, 0]]).reshape(_BT // _IM, _IM)
    scores, sumsq = _sc_gather_score(
        entity_emb, relation_emb, h_idx, t_idx, r_idx)
    out = _tc_finalize(scores.reshape(_BT // _IM, _IM),
                       sumsq.reshape(_NW * 16 // _IM, _IM))
    return out.reshape(())

# --- scband reference (transcript-rebuilt; emitter-appended) ---
"""Pipeline reference for scband-dist-mult-8065948581978 (READ-ONLY COPY).

The authoritative reference and input builder live on the scoring server;
editing this copy changes nothing except your own understanding.
"""

import jax, jax.numpy as jnp
import numpy as np

B = 16384
E = 1000000
R = 1000
D = 64
LMBDA = 0.01

def _xavier_uniform(key, shape):
    fan_in, fan_out = shape[0], shape[1]
    bound = float(np.sqrt(6.0 / (fan_in + fan_out)))
    return jax.random.uniform(key, shape, dtype=jnp.float32, minval=-bound, maxval=bound)

def setup_inputs(seed: int = 0) -> dict:
    key = jax.random.key(seed)
    ks = jax.random.split(key, 8)
    pos_h = jax.random.randint(ks[0], (B,), 0, E).astype(jnp.int32)
    pos_r = jax.random.randint(ks[1], (B, 1), 0, R).astype(jnp.int32)
    pos_t = jax.random.randint(ks[2], (B,), 0, E).astype(jnp.int32)
    neg_h = jax.random.randint(ks[3], (B,), 0, E).astype(jnp.int32)
    neg_r = jax.random.randint(ks[4], (B, 1), 0, R).astype(jnp.int32)
    neg_t = jax.random.randint(ks[5], (B,), 0, E).astype(jnp.int32)
    entity_emb = _xavier_uniform(ks[6], (E, D))
    relation_emb = _xavier_uniform(ks[7], (R, D))
    return {"pos_h": pos_h, "pos_r": pos_r, "pos_t": pos_t,
            "neg_h": neg_h, "neg_r": neg_r, "neg_t": neg_t,
            "entity_emb": entity_emb, "relation_emb": relation_emb}

def reference(pos_h, pos_r, pos_t, neg_h, neg_r, neg_t, entity_emb, relation_emb):
    h_idx = jnp.concatenate([pos_h, neg_h], axis=0)
    r_idx = jnp.concatenate([pos_r, neg_r], axis=0)[:, 0]
    t_idx = jnp.concatenate([pos_t, neg_t], axis=0)
    batch_y = jnp.concatenate([jnp.ones((pos_h.shape[0],), dtype=jnp.float32),
                               -jnp.ones((neg_h.shape[0],), dtype=jnp.float32)], axis=0)
    h = jnp.take(entity_emb, h_idx, axis=0)
    t = jnp.take(entity_emb, t_idx, axis=0)
    r = jnp.take(relation_emb, r_idx, axis=0)
    score = -jnp.sum(h * t * r, axis=-1)
    regul = jnp.mean(h ** 2) + jnp.mean(t ** 2) + jnp.mean(r ** 2)
    loss = jnp.mean(jax.nn.softplus(score * batch_y)) + LMBDA * regul
    return loss

if __name__ == "__main__":
    import jax
    _d = setup_inputs()
    print(jax.jit(kernel)(*tuple(_d.values())))

</pallas_src>

<mosaic_0001>
#map = affine_map<(d0, d1) -> (0, 0)>
#map1 = affine_map<(d0, d1) -> (0)>
module attributes {stable_mosaic.version = 14 : i64} {
  func.func @k(%arg0: i32, %arg1: i32, %arg2: memref<1000000x64xf32, #tpu.memory_space<hbm>>, %arg3: memref<1000x64xf32, #tpu.memory_space<hbm>>, %arg4: memref<256x128xi32, #tpu.memory_space<hbm>>, %arg5: memref<256x128xi32, #tpu.memory_space<hbm>>, %arg6: memref<256x128xi32, #tpu.memory_space<hbm>>, %arg7: memref<32768xf32, #tpu.memory_space<hbm>>, %arg8: memref<32x16xf32, #tpu.memory_space<hbm>>, %arg9: memref<4x128xi32, #tpu.memory_space<vmem>>, %arg10: memref<4x128xi32, #tpu.memory_space<vmem>>, %arg11: memref<4x128xi32, #tpu.memory_space<vmem>>, %arg12: memref<512x64xf32, #tpu.memory_space<vmem>>, %arg13: memref<512x64xf32, #tpu.memory_space<vmem>>, %arg14: memref<512x64xf32, #tpu.memory_space<vmem>>, %arg15: memref<512xf32, #tpu.memory_space<vmem>>, %arg16: memref<256xf32, #tpu.memory_space<vmem>>, %arg17: memref<16xf32, #tpu.memory_space<vmem>>, %arg18: memref<!tpu.dma_semaphore, #tpu.memory_space<semaphore_mem>>) attributes {dimension_semantics = [#tpu.dimension_semantics<core_parallel>, #tpu.dimension_semantics<subcore_parallel>], iteration_bounds = array<i64: 2, 16>, scalar_prefetch = 0 : i64, scratch_operands = 10 : i64, tpu.core_type = #tpu.core_type<sc_vector_subcore>, window_params = [{transform_indices = #map}, {transform_indices = #map}, {transform_indices = #map}, {transform_indices = #map}, {transform_indices = #map}, {transform_indices = #map1}, {transform_indices = #map}]} {
    %mul3A = arith.constant 2 : i32
    %mul3A_0 = arith.muli %arg1, %mul3A : i32
    %add3A = arith.addi %mul3A_0, %arg0 : i32
    %iota3A = tpu.iota {dimensions = array<i32: 0>} : vector<16xi32>
    %broadcast_in_dim3A = arith.constant 0.000000e+00 : f32
    %broadcast_in_dim3A_1 = vector.broadcast %broadcast_in_dim3A : f32 to vector<16xf32>
    %mul3A_2 = arith.constant 8 : i32
    %mul3A_3 = arith.muli %add3A, %mul3A_2 : i32
    %add3A_4 = arith.constant 0 : i32
    %add3A_5 = arith.addi %mul3A_3, %add3A_4 : i32
    "tpu.region"() ({
      %run_scoped3A = tpu.sem_alloc : memref<!tpu.dma_semaphore, #tpu.memory_space<semaphore_mem>>
      %dma_start3A_508 = arith.constant 0 : i32
      %dma_start3A_509 = tpu.memref_slice %arg4[%add3A_5, %dma_start3A_508] : memref<256x128xi32, #tpu.memory_space<hbm>> -> memref<4x128xi32, #tpu.memory_space<hbm>>
      %dma_start3A_510 = arith.constant 0 : i32
      %dma_start3A_511 = tpu.memref_slice %arg4[%add3A_5, %dma_start3A_510] : memref<256x128xi32, #tpu.memory_space<hbm>> -> memref<4x128xi32, #tpu.memory_space<hbm>>
      tpu.enqueue_dma source(%dma_start3A_511 : memref<4x128xi32, #tpu.memory_space<hbm>>) target(%arg9 : memref<4x128xi32, #tpu.memory_space<vmem>>) target_semaphore(%run_scoped3A : memref<!tpu.dma_semaphore, #tpu.memory_space<semaphore_mem>>)
      %dma_wait3A_512 = arith.constant 0 : i32
      %dma_wait3A_513 = tpu.memref_slice %arg4[%add3A_5, %dma_wait3A_512] : memref<256x128xi32, #tpu.memory_space<hbm>> -> memref<4x128xi32, #tpu.memory_space<hbm>>
      %dma_wait3A_514 = arith.constant 0 : i32
      %dma_wait3A_515 = tpu.memref_slice %arg4[%add3A_5, %dma_wait3A_514] : memref<256x128xi32, #tpu.memory_space<hbm>> -> memref<4x128xi32, #tpu.memory_space<hbm>>
      tpu.wait_dma2 semaphore(%run_scoped3A : memref<!tpu.dma_semaphore, #tpu.memory_space<semaphore_mem>>) src(%dma_wait3A_515 : memref<4x128xi32, #tpu.memory_space<hbm>>) dst(%arg9 : memref<4x128xi32, #tpu.memory_space<vmem>>)
      tpu.yield
    }) : () -> ()
    "tpu.region"() ({
      %run_scoped3A = tpu.sem_alloc : memref<!tpu.dma_semaphore, #tpu.memory_space<semaphore_mem>>
      %dma_start3A_508 = arith.constant 0 : i32
      %dma_start3A_509 = tpu.memref_slice %arg5[%add3A_5, %dma_start3A_508] : memref<256x128xi32, #tpu.memory_space<hbm>> -> memref<4x128xi32, #tpu.memory_space<hbm>>
      %dma_start3A_510 = arith.constant 0 : i32
      %dma_start3A_511 = tpu.memref_slice %arg5[%add3A_5, %dma_start3A_510] : memref<256x128xi32, #tpu.memory_space<hbm>> -> memref<4x128xi32, #tpu.memory_space<hbm>>
      tpu.enqueue_dma source(%dma_start3A_511 : memref<4x128xi32, #tpu.memory_space<hbm>>) target(%arg10 : memref<4x128xi32, #tpu.memory_space<vmem>>) target_semaphore(%run_scoped3A : memref<!tpu.dma_semaphore, #tpu.memory_space<semaphore_mem>>)
      %dma_wait3A_512 = arith.constant 0 : i32
      %dma_wait3A_513 = tpu.memref_slice %arg5[%add3A_5, %dma_wait3A_512] : memref<256x128xi32, #tpu.memory_space<hbm>> -> memref<4x128xi32, #tpu.memory_space<hbm>>
      %dma_wait3A_514 = arith.constant 0 : i32
      %dma_wait3A_515 = tpu.memref_slice %arg5[%add3A_5, %dma_wait3A_514] : memref<256x128xi32, #tpu.memory_space<hbm>> -> memref<4x128xi32, #tpu.memory_space<hbm>>
      tpu.wait_dma2 semaphore(%run_scoped3A : memref<!tpu.dma_semaphore, #tpu.memory_space<semaphore_mem>>) src(%dma_wait3A_515 : memref<4x128xi32, #tpu.memory_space<hbm>>) dst(%arg10 : memref<4x128xi32, #tpu.memory_space<vmem>>)
      tpu.yield
    }) : () -> ()
    "tpu.region"() ({
      %run_scoped3A = tpu.sem_alloc : memref<!tpu.dma_semaphore, #tpu.memory_space<semaphore_mem>>
      %dma_start3A_508 = arith.constant 0 : i32
      %dma_start3A_509 = tpu.memref_slice %arg6[%add3A_5, %dma_start3A_508] : memref<256x128xi32, #tpu.memory_space<hbm>> -> memref<4x128xi32, #tpu.memory_space<hbm>>
      %dma_start3A_510 = arith.constant 0 : i32
      %dma_start3A_511 = tpu.memref_slice %arg6[%add3A_5, %dma_start3A_510] : memref<256x128xi32, #tpu.memory_space<hbm>> -> memref<4x128xi32, #tpu.memory_space<hbm>>
      tpu.enqueue_dma source(%dma_start3A_511 : memref<4x128xi32, #tpu.memory_space<hbm>>) target(%arg11 : memref<4x128xi32, #tpu.memory_space<vmem>>) target_semaphore(%run_scoped3A : memref<!tpu.dma_semaphore, #tpu.memory_space<semaphore_mem>>)
      %dma_wait3A_512 = arith.constant 0 : i32
      %dma_wait3A_513 = tpu.memref_slice %arg6[%add3A_5, %dma_wait3A_512] : memref<256x128xi32, #tpu.memory_space<hbm>> -> memref<4x128xi32, #tpu.memory_space<hbm>>
      %dma_wait3A_514 = arith.constant 0 : i32
      %dma_wait3A_515 = tpu.memref_slice %arg6[%add3A_5, %dma_wait3A_514] : memref<256x128xi32, #tpu.memory_space<hbm>> -> memref<4x128xi32, #tpu.memory_space<hbm>>
      tpu.wait_dma2 semaphore(%run_scoped3A : memref<!tpu.dma_semaphore, #tpu.memory_space<semaphore_mem>>) src(%dma_wait3A_515 : memref<4x128xi32, #tpu.memory_space<hbm>>) dst(%arg11 : memref<4x128xi32, #tpu.memory_space<vmem>>)
      tpu.yield
    }) : () -> ()
    %dma_start3A = arith.constant 0 : i32
    %dma_start3A_6 = arith.constant 0 : i32
    %dma_start3A_7 = arith.constant 0 : i32
    %dma_start3A_8 = tpu.memref_slice %arg12[%dma_start3A_6, %dma_start3A_7] : memref<512x64xf32, #tpu.memory_space<vmem>> -> memref<128x64xf32, #tpu.memory_space<vmem>>
    %dma_start3A_9 = arith.constant 0 : i32
    %dma_start3A_10 = tpu.memref_slice %arg9[%dma_start3A, %dma_start3A_9] : memref<4x128xi32, #tpu.memory_space<vmem>> -> memref<1x128xi32, #tpu.memory_space<vmem>>
    %dma_start3A_11 = tpu.memref_squeeze %dma_start3A_10 : memref<1x128xi32, #tpu.memory_space<vmem>> -> memref<128xi32, #tpu.memory_space<vmem>>
    %dma_start3A_12 = arith.constant 0 : i32
    %dma_start3A_13 = arith.constant 0 : i32
    %dma_start3A_14 = tpu.memref_slice %arg2[%dma_start3A_12, %dma_start3A_13] : memref<1000000x64xf32, #tpu.memory_space<hbm>> -> memref<1000000x64xf32, #tpu.memory_space<hbm>>
    tpu.enqueue_indirect_dma source(%dma_start3A_14 : memref<1000000x64xf32, #tpu.memory_space<hbm>>) target(%dma_start3A_8 : memref<128x64xf32, #tpu.memory_space<vmem>>) offsets(%dma_start3A_11 : memref<128xi32, #tpu.memory_space<vmem>>) semaphore(%arg18 : memref<!tpu.dma_semaphore, #tpu.memory_space<semaphore_mem>>)
    %dma_start3A_15 = arith.constant 0 : i32
    %dma_start3A_16 = arith.constant 0 : i32
    %dma_start3A_17 = arith.constant 0 : i32
    %dma_start3A_18 = tpu.memref_slice %arg13[%dma_start3A_16, %dma_start3A_17] : memref<512x64xf32, #tpu.memory_space<vmem>> -> memref<128x64xf32, #tpu.memory_space<vmem>>
    %dma_start3A_19 = arith.constant 0 : i32
    %dma_start3A_20 = tpu.memref_slice %arg10[%dma_start3A_15, %dma_start3A_19] : memref<4x128xi32, #tpu.memory_space<vmem>> -> memref<1x128xi32, #tpu.memory_space<vmem>>
    %dma_start3A_21 = tpu.memref_squeeze %dma_start3A_20 : memref<1x128xi32, #tpu.memory_space<vmem>> -> memref<128xi32, #tpu.memory_space<vmem>>
    %dma_start3A_22 = arith.constant 0 : i32
    %dma_start3A_23 = arith.constant 0 : i32
    %dma_start3A_24 = tpu.memref_slice %arg2[%dma_start3A_22, %dma_start3A_23] : memref<1000000x64xf32, #tpu.memory_space<hbm>> -> memref<1000000x64xf32, #tpu.memory_space<hbm>>
    tpu.enqueue_indirect_dma source(%dma_start3A_24 : memref<1000000x64xf32, #tpu.memory_space<hbm>>) target(%dma_start3A_18 : memref<128x64xf32, #tpu.memory_space<vmem>>) offsets(%dma_start3A_21 : memref<128xi32, #tpu.memory_space<vmem>>) semaphore(%arg18 : memref<!tpu.dma_semaphore, #tpu.memory_space<semaphore_mem>>)
    %dma_start3A_25 = arith.constant 0 : i32
    %dma_start3A_26 = arith.constant 0 : i32
    %dma_start3A_27 = arith.constant 0 : i32
    %dma_start3A_28 = tpu.memref_slice %arg14[%dma_start3A_26, %dma_start3A_27] : memref<512x64xf32, #tpu.memory_space<vmem>> -> memref<128x64xf32, #tpu.memory_space<vmem>>
    %dma_start3A_29 = arith.constant 0 : i32
    %dma_start3A_30 = tpu.memref_slice %arg11[%dma_start3A_25, %dma_start3A_29] : memref<4x128xi32, #tpu.memory_space<vmem>> -> memref<1x128xi32, #tpu.memory_space<vmem>>
    %dma_start3A_31 = tpu.memref_squeeze %dma_start3A_30 : memref<1x128xi32, #tpu.memory_space<vmem>> -> memref<128xi32, #tpu.memory_space<vmem>>
    %dma_start3A_32 = arith.constant 0 : i32
    %dma_start3A_33 = arith.constant 0 : i32
    %dma_start3A_34 = tpu.memref_slice %arg3[%dma_start3A_32, %dma_start3A_33] : memref<1000x64xf32, #tpu.memory_space<hbm>> -> memref<1000x64xf32, #tpu.memory_space<hbm>>
    tpu.enqueue_indirect_dma source(%dma_start3A_34 : memref<1000x64xf32, #tpu.memory_space<hbm>>) target(%dma_start3A_28 : memref<128x64xf32, #tpu.memory_space<vmem>>) offsets(%dma_start3A_31 : memref<128xi32, #tpu.memory_space<vmem>>) semaphore(%arg18 : memref<!tpu.dma_semaphore, #tpu.memory_space<semaphore_mem>>)
    %dma_start3A_35 = arith.constant 1 : i32
    %dma_start3A_36 = arith.constant 128 : i32
    %dma_start3A_37 = arith.constant 0 : i32
    %dma_start3A_38 = tpu.memref_slice %arg12[%dma_start3A_36, %dma_start3A_37] : memref<512x64xf32, #tpu.memory_space<vmem>> -> memref<128x64xf32, #tpu.memory_space<vmem>>
    %dma_start3A_39 = arith.constant 0 : i32
    %dma_start3A_40 = tpu.memref_slice %arg9[%dma_start3A_35, %dma_start3A_39] : memref<4x128xi32, #tpu.memory_space<vmem>> -> memref<1x128xi32, #tpu.memory_space<vmem>>
    %dma_start3A_41 = tpu.memref_squeeze %dma_start3A_40 : memref<1x128xi32, #tpu.memory_space<vmem>> -> memref<128xi32, #tpu.memory_space<vmem>>
    %dma_start3A_42 = arith.constant 0 : i32
    %dma_start3A_43 = arith.constant 0 : i32
    %dma_start3A_44 = tpu.memref_slice %arg2[%dma_start3A_42, %dma_start3A_43] : memref<1000000x64xf32, #tpu.memory_space<hbm>> -> memref<1000000x64xf32, #tpu.memory_space<hbm>>
    tpu.enqueue_indirect_dma source(%dma_start3A_44 : memref<1000000x64xf32, #tpu.memory_space<hbm>>) target(%dma_start3A_38 : memref<128x64xf32, #tpu.memory_space<vmem>>) offsets(%dma_start3A_41 : memref<128xi32, #tpu.memory_space<vmem>>) semaphore(%arg18 : memref<!tpu.dma_semaphore, #tpu.memory_space<semaphore_mem>>)
    %dma_start3A_45 = arith.constant 1 : i32
    %dma_start3A_46 = arith.constant 128 : i32
    %dma_start3A_47 = arith.constant 0 : i32
    %dma_start3A_48 = tpu.memref_slice %arg13[%dma_start3A_46, %dma_start3A_47] : memref<512x64xf32, #tpu.memory_space<vmem>> -> memref<128x64xf32, #tpu.memory_space<vmem>>
    %dma_start3A_49 = arith.constant 0 : i32
    %dma_start3A_50 = tpu.memref_slice %arg10[%dma_start3A_45, %dma_start3A_49] : memref<4x128xi32, #tpu.memory_space<vmem>> -> memref<1x128xi32, #tpu.memory_space<vmem>>
    %dma_start3A_51 = tpu.memref_squeeze %dma_start3A_50 : memref<1x128xi32, #tpu.memory_space<vmem>> -> memref<128xi32, #tpu.memory_space<vmem>>
    %dma_start3A_52 = arith.constant 0 : i32
    %dma_start3A_53 = arith.constant 0 : i32
    %dma_start3A_54 = tpu.memref_slice %arg2[%dma_start3A_52, %dma_start3A_53] : memref<1000000x64xf32, #tpu.memory_space<hbm>> -> memref<1000000x64xf32, #tpu.memory_space<hbm>>
    tpu.enqueue_indirect_dma source(%dma_start3A_54 : memref<1000000x64xf32, #tpu.memory_space<hbm>>) target(%dma_start3A_48 : memref<128x64xf32, #tpu.memory_space<vmem>>) offsets(%dma_start3A_51 : memref<128xi32, #tpu.memory_space<vmem>>) semaphore(%arg18 : memref<!tpu.dma_semaphore, #tpu.memory_space<semaphore_mem>>)
    %dma_start3A_55 = arith.constant 1 : i32
    %dma_start3A_56 = arith.constant 128 : i32
    %dma_start3A_57 = arith.constant 0 : i32
    %dma_start3A_58 = tpu.memref_slice %arg14[%dma_start3A_56, %dma_start3A_57] : memref<512x64xf32, #tpu.memory_space<vmem>> -> memref<128x64xf32, #tpu.memory_space<vmem>>
    %dma_start3A_59 = arith.constant 0 : i32
    %dma_start3A_60 = tpu.memref_slice %arg11[%dma_start3A_55, %dma_start3A_59] : memref<4x128xi32, #tpu.memory_space<vmem>> -> memref<1x128xi32, #tpu.memory_space<vmem>>
    %dma_start3A_61 = tpu.memref_squeeze %dma_start3A_60 : memref<1x128xi32, #tpu.memory_space<vmem>> -> memref<128xi32, #tpu.memory_space<vmem>>
    %dma_start3A_62 = arith.constant 0 : i32
    %dma_start3A_63 = arith.constant 0 : i32
    %dma_start3A_64 = tpu.memref_slice %arg3[%dma_start3A_62, %dma_start3A_63] : memref<1000x64xf32, #tpu.memory_space<hbm>> -> memref<1000x64xf32, #tpu.memory_space<hbm>>
    tpu.enqueue_indirect_dma source(%dma_start3A_64 : memref<1000x64xf32, #tpu.memory_space<hbm>>) target(%dma_start3A_58 : memref<128x64xf32, #tpu.memory_space<vmem>>) offsets(%dma_start3A_61 : memref<128xi32, #tpu.memory_space<vmem>>) semaphore(%arg18 : memref<!tpu.dma_semaphore, #tpu.memory_space<semaphore_mem>>)
    %dma_start3A_65 = arith.constant 2 : i32
    %dma_start3A_66 = arith.constant 256 : i32
    %dma_start3A_67 = arith.constant 0 : i32
    %dma_start3A_68 = tpu.memref_slice %arg12[%dma_start3A_66, %dma_start3A_67] : memref<512x64xf32, #tpu.memory_space<vmem>> -> memref<128x64xf32, #tpu.memory_space<vmem>>
    %dma_start3A_69 = arith.constant 0 : i32
    %dma_start3A_70 = tpu.memref_slice %arg9[%dma_start3A_65, %dma_start3A_69] : memref<4x128xi32, #tpu.memory_space<vmem>> -> memref<1x128xi32, #tpu.memory_space<vmem>>
    %dma_start3A_71 = tpu.memref_squeeze %dma_start3A_70 : memref<1x128xi32, #tpu.memory_space<vmem>> -> memref<128xi32, #tpu.memory_space<vmem>>
    %dma_start3A_72 = arith.constant 0 : i32
    %dma_start3A_73 = arith.constant 0 : i32
    %dma_start3A_74 = tpu.memref_slice %arg2[%dma_start3A_72, %dma_start3A_73] : memref<1000000x64xf32, #tpu.memory_space<hbm>> -> memref<1000000x64xf32, #tpu.memory_space<hbm>>
    tpu.enqueue_indirect_dma source(%dma_start3A_74 : memref<1000000x64xf32, #tpu.memory_space<hbm>>) target(%dma_start3A_68 : memref<128x64xf32, #tpu.memory_space<vmem>>) offsets(%dma_start3A_71 : memref<128xi32, #tpu.memory_space<vmem>>) semaphore(%arg18 : memref<!tpu.dma_semaphore, #tpu.memory_space<semaphore_mem>>)
    %dma_start3A_75 = arith.constant 2 : i32
    %dma_start3A_76 = arith.constant 256 : i32
    %dma_start3A_77 = arith.constant 0 : i32
    %dma_start3A_78 = tpu.memref_slice %arg13[%dma_start3A_76, %dma_start3A_77] : memref<512x64xf32, #tpu.memory_space<vmem>> -> memref<128x64xf32, #tpu.memory_space<vmem>>
    %dma_start3A_79 = arith.constant 0 : i32
    %dma_start3A_80 = tpu.memref_slice %arg10[%dma_start3A_75, %dma_start3A_79] : memref<4x128xi32, #tpu.memory_space<vmem>> -> memref<1x128xi32, #tpu.memory_space<vmem>>
    %dma_start3A_81 = tpu.memref_squeeze %dma_start3A_80 : memref<1x128xi32, #tpu.memory_space<vmem>> -> memref<128xi32, #tpu.memory_space<vmem>>
    %dma_start3A_82 = arith.constant 0 : i32
    %dma_start3A_83 = arith.constant 0 : i32
    %dma_start3A_84 = tpu.memref_slice %arg2[%dma_start3A_82, %dma_start3A_83] : memref<1000000x64xf32, #tpu.memory_space<hbm>> -> memref<1000000x64xf32, #tpu.memory_space<hbm>>
    tpu.enqueue_indirect_dma source(%dma_start3A_84 : memref<1000000x64xf32, #tpu.memory_space<hbm>>) target(%dma_start3A_78 : memref<128x64xf32, #tpu.memory_space<vmem>>) offsets(%dma_start3A_81 : memref<128xi32, #tpu.memory_space<vmem>>) semaphore(%arg18 : memref<!tpu.dma_semaphore, #tpu.memory_space<semaphore_mem>>)
    %dma_start3A_85 = arith.constant 2 : i32
    %dma_start3A_86 = arith.constant 256 : i32
    %dma_start3A_87 = arith.constant 0 : i32
    %dma_start3A_88 = tpu.memref_slice %arg14[%dma_start3A_86, %dma_start3A_87] : memref<512x64xf32, #tpu.memory_space<vmem>> -> memref<128x64xf32, #tpu.memory_space<vmem>>
    %dma_start3A_89 = arith.constant 0 : i32
    %dma_start3A_90 = tpu.memref_slice %arg11[%dma_start3A_85, %dma_start3A_89] : memref<4x128xi32, #tpu.memory_space<vmem>> -> memref<1x128xi32, #tpu.memory_space<vmem>>
    %dma_start3A_91 = tpu.memref_squeeze %dma_start3A_90 : memref<1x128xi32, #tpu.memory_space<vmem>> -> memref<128xi32, #tpu.memory_space<vmem>>
    %dma_start3A_92 = arith.constant 0 : i32
    %dma_start3A_93 = arith.constant 0 : i32
    %dma_start3A_94 = tpu.memref_slice %arg3[%dma_start3A_92, %dma_start3A_93] : memref<1000x64xf32, #tpu.memory_space<hbm>> -> memref<1000x64xf32, #tpu.memory_space<hbm>>
    tpu.enqueue_indirect_dma source(%dma_start3A_94 : memref<1000x64xf32, #tpu.memory_space<hbm>>) target(%dma_start3A_88 : memref<128x64xf32, #tpu.memory_space<vmem>>) offsets(%dma_start3A_91 : memref<128xi32, #tpu.memory_space<vmem>>) semaphore(%arg18 : memref<!tpu.dma_semaphore, #tpu.memory_space<semaphore_mem>>)
    %dma_start3A_95 = arith.constant 3 : i32
    %dma_start3A_96 = arith.constant 384 : i32
    %dma_start3A_97 = arith.constant 0 : i32
    %dma_start3A_98 = tpu.memref_slice %arg12[%dma_start3A_96, %dma_start3A_97] : memref<512x64xf32, #tpu.memory_space<vmem>> -> memref<128x64xf32, #tpu.memory_space<vmem>>
    %dma_start3A_99 = arith.constant 0 : i32
    %dma_start3A_100 = tpu.memref_slice %arg9[%dma_start3A_95, %dma_start3A_99] : memref<4x128xi32, #tpu.memory_space<vmem>> -> memref<1x128xi32, #tpu.memory_space<vmem>>
    %dma_start3A_101 = tpu.memref_squeeze %dma_start3A_100 : memref<1x128xi32, #tpu.memory_space<vmem>> -> memref<128xi32, #tpu.memory_space<vmem>>
    %dma_start3A_102 = arith.constant 0 : i32
    %dma_start3A_103 = arith.constant 0 : i32
    %dma_start3A_104 = tpu.memref_slice %arg2[%dma_start3A_102, %dma_start3A_103] : memref<1000000x64xf32, #tpu.memory_space<hbm>> -> memref<1000000x64xf32, #tpu.memory_space<hbm>>
    tpu.enqueue_indirect_dma source(%dma_start3A_104 : memref<1000000x64xf32, #tpu.memory_space<hbm>>) target(%dma_start3A_98 : memref<128x64xf32, #tpu.memory_space<vmem>>) offsets(%dma_start3A_101 : memref<128xi32, #tpu.memory_space<vmem>>) semaphore(%arg18 : memref<!tpu.dma_semaphore, #tpu.memory_space<semaphore_mem>>)
    %dma_start3A_105 = arith.constant 3 : i32
    %dma_start3A_106 = arith.constant 384 : i32
    %dma_start3A_107 = arith.constant 0 : i32
    %dma_start3A_108 = tpu.memref_slice %arg13[%dma_start3A_106, %dma_start3A_107] : memref<512x64xf32, #tpu.memory_space<vmem>> -> memref<128x64xf32, #tpu.memory_space<vmem>>
    %dma_start3A_109 = arith.constant 0 : i32
    %dma_start3A_110 = tpu.memref_slice %arg10[%dma_start3A_105, %dma_start3A_109] : memref<4x128xi32, #tpu.memory_space<vmem>> -> memref<1x128xi32, #tpu.memory_space<vmem>>
    %dma_start3A_111 = tpu.memref_squeeze %dma_start3A_110 : memref<1x128xi32, #tpu.memory_space<vmem>> -> memref<128xi32, #tpu.memory_space<vmem>>
    %dma_start3A_112 = arith.constant 0 : i32
    %dma_start3A_113 = arith.constant 0 : i32
    %dma_start3A_114 = tpu.memref_slice %arg2[%dma_start3A_112, %dma_start3A_113] : memref<1000000x64xf32, #tpu.memory_space<hbm>> -> memref<1000000x64xf32, #tpu.memory_space<hbm>>
    tpu.enqueue_indirect_dma source(%dma_start3A_114 : memref<1000000x64xf32, #tpu.memory_space<hbm>>) target(%dma_start3A_108 : memref<128x64xf32, #tpu.memory_space<vmem>>) offsets(%dma_start3A_111 : memref<128xi32, #tpu.memory_space<vmem>>) semaphore(%arg18 : memref<!tpu.dma_semaphore, #tpu.memory_space<semaphore_mem>>)
    %dma_start3A_115 = arith.constant 3 : i32
    %dma_start3A_116 = arith.constant 384 : i32
    %dma_start3A_117 = arith.constant 0 : i32
    %dma_start3A_118 = tpu.memref_slice %arg14[%dma_start3A_116, %dma_start3A_117] : memref<512x64xf32, #tpu.memory_space<vmem>> -> memref<128x64xf32, #tpu.memory_space<vmem>>
    %dma_start3A_119 = arith.constant 0 : i32
    %dma_start3A_120 = tpu.memref_slice %arg11[%dma_start3A_115, %dma_start3A_119] : memref<4x128xi32, #tpu.memory_space<vmem>> -> memref<1x128xi32, #tpu.memory_space<vmem>>
    %dma_start3A_121 = tpu.memref_squeeze %dma_start3A_120 : memref<1x128xi32, #tpu.memory_space<vmem>> -> memref<128xi32, #tpu.memory_space<vmem>>
    %dma_start3A_122 = arith.constant 0 : i32
    %dma_start3A_123 = arith.constant 0 : i32
    %dma_start3A_124 = tpu.memref_slice %arg3[%dma_start3A_122, %dma_start3A_123] : memref<1000x64xf32, #tpu.memory_space<hbm>> -> memref<1000x64xf32, #tpu.memory_space<hbm>>
    tpu.enqueue_indirect_dma source(%dma_start3A_124 : memref<1000x64xf32, #tpu.memory_space<hbm>>) target(%dma_start3A_118 : memref<128x64xf32, #tpu.memory_space<vmem>>) offsets(%dma_start3A_121 : memref<128xi32, #tpu.memory_space<vmem>>) semaphore(%arg18 : memref<!tpu.dma_semaphore, #tpu.memory_space<semaphore_mem>>)
    %dma_wait3A = arith.constant 0 : i32
    %dma_wait3A_125 = arith.constant 0 : i32
    %dma_wait3A_126 = arith.constant 0 : i32
    %dma_wait3A_127 = tpu.memref_slice %arg12[%dma_wait3A_125, %dma_wait3A_126] : memref<512x64xf32, #tpu.memory_space<vmem>> -> memref<128x64xf32, #tpu.memory_space<vmem>>
    %dma_wait3A_128 = arith.constant 0 : i32
    %dma_wait3A_129 = tpu.memref_slice %arg9[%dma_wait3A, %dma_wait3A_128] : memref<4x128xi32, #tpu.memory_space<vmem>> -> memref<1x128xi32, #tpu.memory_space<vmem>>
    %dma_wait3A_130 = tpu.memref_squeeze %dma_wait3A_129 : memref<1x128xi32, #tpu.memory_space<vmem>> -> memref<128xi32, #tpu.memory_space<vmem>>
    %dma_wait3A_131 = arith.constant 0 : i32
    %dma_wait3A_132 = arith.constant 0 : i32
    %dma_wait3A_133 = tpu.memref_slice %arg2[%dma_wait3A_131, %dma_wait3A_132] : memref<1000000x64xf32, #tpu.memory_space<hbm>> -> memref<1000000x64xf32, #tpu.memory_space<hbm>>
    tpu.wait_indirect_dma semaphore(%arg18 : memref<!tpu.dma_semaphore, #tpu.memory_space<semaphore_mem>>) src(%dma_wait3A_133 : memref<1000000x64xf32, #tpu.memory_space<hbm>>) dst(%dma_wait3A_127 : memref<128x64xf32, #tpu.memory_space<vmem>>)
    %dma_wait3A_134 = arith.constant 0 : i32
    %dma_wait3A_135 = arith.constant 0 : i32
    %dma_wait3A_136 = arith.constant 0 : i32
    %dma_wait3A_137 = tpu.memref_slice %arg13[%dma_wait3A_135, %dma_wait3A_136] : memref<512x64xf32, #tpu.memory_space<vmem>> -> memref<128x64xf32, #tpu.memory_space<vmem>>
    %dma_wait3A_138 = arith.constant 0 : i32
    %dma_wait3A_139 = tpu.memref_slice %arg10[%dma_wait3A_134, %dma_wait3A_138] : memref<4x128xi32, #tpu.memory_space<vmem>> -> memref<1x128xi32, #tpu.memory_space<vmem>>
    %dma_wait3A_140 = tpu.memref_squeeze %dma_wait3A_139 : memref<1x128xi32, #tpu.memory_space<vmem>> -> memref<128xi32, #tpu.memory_space<vmem>>
    %dma_wait3A_141 = arith.constant 0 : i32
    %dma_wait3A_142 = arith.constant 0 : i32
    %dma_wait3A_143 = tpu.memref_slice %arg2[%dma_wait3A_141, %dma_wait3A_142] : memref<1000000x64xf32, #tpu.memory_space<hbm>> -> memref<1000000x64xf32, #tpu.memory_space<hbm>>
    tpu.wait_indirect_dma semaphore(%arg18 : memref<!tpu.dma_semaphore, #tpu.memory_space<semaphore_mem>>) src(%dma_wait3A_143 : memref<1000000x64xf32, #tpu.memory_space<hbm>>) dst(%dma_wait3A_137 : memref<128x64xf32, #tpu.memory_space<vmem>>)
    %dma_wait3A_144 = arith.constant 0 : i32
    %dma_wait3A_145 = arith.constant 0 : i32
    %dma_wait3A_146 = arith.constant 0 : i32
    %dma_wait3A_147 = tpu.memref_slice %arg14[%dma_wait3A_145, %dma_wait3A_146] : memref<512x64xf32, #tpu.memory_space<vmem>> -> memref<128x64xf32, #tpu.memory_space<vmem>>
    %dma_wait3A_148 = arith.constant 0 : i32
    %dma_wait3A_149 = tpu.memref_slice %arg11[%dma_wait3A_144, %dma_wait3A_148] : memref<4x128xi32, #tpu.memory_space<vmem>> -> memref<1x128xi32, #tpu.memory_space<vmem>>
    %dma_wait3A_150 = tpu.memref_squeeze %dma_wait3A_149 : memref<1x128xi32, #tpu.memory_space<vmem>> -> memref<128xi32, #tpu.memory_space<vmem>>
    %dma_wait3A_151 = arith.constant 0 : i32
    %dma_wait3A_152 = arith.constant 0 : i32
    %dma_wait3A_153 = tpu.memref_slice %arg3[%dma_wait3A_151, %dma_wait3A_152] : memref<1000x64xf32, #tpu.memory_space<hbm>> -> memref<1000x64xf32, #tpu.memory_space<hbm>>
    tpu.wait_indirect_dma semaphore(%arg18 : memref<!tpu.dma_semaphore, #tpu.memory_space<semaphore_mem>>) src(%dma_wait3A_153 : memref<1000x64xf32, #tpu.memory_space<hbm>>) dst(%dma_wait3A_147 : memref<128x64xf32, #tpu.memory_space<vmem>>)
    %dma_wait3A_154 = arith.constant 1 : i32
    %dma_wait3A_155 = arith.constant 128 : i32
    %dma_wait3A_156 = arith.constant 0 : i32
    %dma_wait3A_157 = tpu.memref_slice %arg12[%dma_wait3A_155, %dma_wait3A_156] : memref<512x64xf32, #tpu.memory_space<vmem>> -> memref<128x64xf32, #tpu.memory_space<vmem>>
    %dma_wait3A_158 = arith.constant 0 : i32
    %dma_wait3A_159 = tpu.memref_slice %arg9[%dma_wait3A_154, %dma_wait3A_158] : memref<4x128xi32, #tpu.memory_space<vmem>> -> memref<1x128xi32, #tpu.memory_space<vmem>>
    %dma_wait3A_160 = tpu.memref_squeeze %dma_wait3A_159 : memref<1x128xi32, #tpu.memory_space<vmem>> -> memref<128xi32, #tpu.memory_space<vmem>>
    %dma_wait3A_161 = arith.constant 0 : i32
    %dma_wait3A_162 = arith.constant 0 : i32
    %dma_wait3A_163 = tpu.memref_slice %arg2[%dma_wait3A_161, %dma_wait3A_162] : memref<1000000x64xf32, #tpu.memory_space<hbm>> -> memref<1000000x64xf32, #tpu.memory_space<hbm>>
    tpu.wait_indirect_dma semaphore(%arg18 : memref<!tpu.dma_semaphore, #tpu.memory_space<semaphore_mem>>) src(%dma_wait3A_163 : memref<1000000x64xf32, #tpu.memory_space<hbm>>) dst(%dma_wait3A_157 : memref<128x64xf32, #tpu.memory_space<vmem>>)
    %dma_wait3A_164 = arith.constant 1 : i32
    %dma_wait3A_165 = arith.constant 128 : i32
    %dma_wait3A_166 = arith.constant 0 : i32
    %dma_wait3A_167 = tpu.memref_slice %arg13[%dma_wait3A_165, %dma_wait3A_166] : memref<512x64xf32, #tpu.memory_space<vmem>> -> memref<128x64xf32, #tpu.memory_space<vmem>>
    %dma_wait3A_168 = arith.constant 0 : i32
    %dma_wait3A_169 = tpu.memref_slice %arg10[%dma_wait3A_164, %dma_wait3A_168] : memref<4x128xi32, #tpu.memory_space<vmem>> -> memref<1x128xi32, #tpu.memory_space<vmem>>
    %dma_wait3A_170 = tpu.memref_squeeze %dma_wait3A_169 : memref<1x128xi32, #tpu.memory_space<vmem>> -> memref<128xi32, #tpu.memory_space<vmem>>
    %dma_wait3A_171 = arith.constant 0 : i32
    %dma_wait3A_172 = arith.constant 0 : i32
    %dma_wait3A_173 = tpu.memref_slice %arg2[%dma_wait3A_171, %dma_wait3A_172] : memref<1000000x64xf32, #tpu.memory_space<hbm>> -> memref<1000000x64xf32, #tpu.memory_space<hbm>>
    tpu.wait_indirect_dma semaphore(%arg18 : memref<!tpu.dma_semaphore, #tpu.memory_space<semaphore_mem>>) src(%dma_wait3A_173 : memref<1000000x64xf32, #tpu.memory_space<hbm>>) dst(%dma_wait3A_167 : memref<128x64xf32, #tpu.memory_space<vmem>>)
    %dma_wait3A_174 = arith.constant 1 : i32
    %dma_wait3A_175 = arith.constant 128 : i32
    %dma_wait3A_176 = arith.constant 0 : i32
    %dma_wait3A_177 = tpu.memref_slice %arg14[%dma_wait3A_175, %dma_wait3A_176] : memref<512x64xf32, #tpu.memory_space<vmem>> -> memref<128x64xf32, #tpu.memory_space<vmem>>
    %dma_wait3A_178 = arith.constant 0 : i32
    %dma_wait3A_179 = tpu.memref_slice %arg11[%dma_wait3A_174, %dma_wait3A_178] : memref<4x128xi32, #tpu.memory_space<vmem>> -> memref<1x128xi32, #tpu.memory_space<vmem>>
    %dma_wait3A_180 = tpu.memref_squeeze %dma_wait3A_179 : memref<1x128xi32, #tpu.memory_space<vmem>> -> memref<128xi32, #tpu.memory_space<vmem>>
    %dma_wait3A_181 = arith.constant 0 : i32
    %dma_wait3A_182 = arith.constant 0 : i32
    %dma_wait3A_183 = tpu.memref_slice %arg3[%dma_wait3A_181, %dma_wait3A_182] : memref<1000x64xf32, #tpu.memory_space<hbm>> -> memref<1000x64xf32, #tpu.memory_space<hbm>>
    tpu.wait_indirect_dma semaphore(%arg18 : memref<!tpu.dma_semaphore, #tpu.memory_space<semaphore_mem>>) src(%dma_wait3A_183 : memref<1000x64xf32, #tpu.memory_space<hbm>>) dst(%dma_wait3A_177 : memref<128x64xf32, #tpu.memory_space<vmem>>)
    %dma_wait3A_184 = arith.constant 2 : i32
    %dma_wait3A_185 = arith.constant 256 : i32
    %dma_wait3A_186 = arith.constant 0 : i32
    %dma_wait3A_187 = tpu.memref_slice %arg12[%dma_wait3A_185, %dma_wait3A_186] : memref<512x64xf32, #tpu.memory_space<vmem>> -> memref<128x64xf32, #tpu.memory_space<vmem>>
    %dma_wait3A_188 = arith.constant 0 : i32
    %dma_wait3A_189 = tpu.memref_slice %arg9[%dma_wait3A_184, %dma_wait3A_188] : memref<4x128xi32, #tpu.memory_space<vmem>> -> memref<1x128xi32, #tpu.memory_space<vmem>>
    %dma_wait3A_190 = tpu.memref_squeeze %dma_wait3A_189 : memref<1x128xi32, #tpu.memory_space<vmem>> -> memref<128xi32, #tpu.memory_space<vmem>>
    %dma_wait3A_191 = arith.constant 0 : i32
    %dma_wait3A_192 = arith.constant 0 : i32
    %dma_wait3A_193 = tpu.memref_slice %arg2[%dma_wait3A_191, %dma_wait3A_192] : memref<1000000x64xf32, #tpu.memory_space<hbm>> -> memref<1000000x64xf32, #tpu.memory_space<hbm>>
    tpu.wait_indirect_dma semaphore(%arg18 : memref<!tpu.dma_semaphore, #tpu.memory_space<semaphore_mem>>) src(%dma_wait3A_193 : memref<1000000x64xf32, #tpu.memory_space<hbm>>) dst(%dma_wait3A_187 : memref<128x64xf32, #tpu.memory_space<vmem>>)
    %dma_wait3A_194 = arith.constant 2 : i32
    %dma_wait3A_195 = arith.constant 256 : i32
    %dma_wait3A_196 = arith.constant 0 : i32
    %dma_wait3A_197 = tpu.memref_slice %arg13[%dma_wait3A_195, %dma_wait3A_196] : memref<512x64xf32, #tpu.memory_space<vmem>> -> memref<128x64xf32, #tpu.memory_space<vmem>>
    %dma_wait3A_198 = arith.constant 0 : i32
    %dma_wait3A_199 = tpu.memref_slice %arg10[%dma_wait3A_194, %dma_wait3A_198] : memref<4x128xi32, #tpu.memory_space<vmem>> -> memref<1x128xi32, #tpu.memory_space<vmem>>
    %dma_wait3A_200 = tpu.memref_squeeze %dma_wait3A_199 : memref<1x128xi32, #tpu.memory_space<vmem>> -> memref<128xi32, #tpu.memory_space<vmem>>
    %dma_wait3A_201 = arith.constant 0 : i32
    %dma_wait3A_202 = arith.constant 0 : i32
    %dma_wait3A_203 = tpu.memref_slice %arg2[%dma_wait3A_201, %dma_wait3A_202] : memref<1000000x64xf32, #tpu.memory_space<hbm>> -> memref<1000000x64xf32, #tpu.memory_space<hbm>>
    tpu.wait_indirect_dma semaphore(%arg18 : memref<!tpu.dma_semaphore, #tpu.memory_space<semaphore_mem>>) src(%dma_wait3A_203 : memref<1000000x64xf32, #tpu.memory_space<hbm>>) dst(%dma_wait3A_197 : memref<128x64xf32, #tpu.memory_space<vmem>>)
    %dma_wait3A_204 = arith.constant 2 : i32
    %dma_wait3A_205 = arith.constant 256 : i32
    %dma_wait3A_206 = arith.constant 0 : i32
    %dma_wait3A_207 = tpu.memref_slice %arg14[%dma_wait3A_205, %dma_wait3A_206] : memref<512x64xf32, #tpu.memory_space<vmem>> -> memref<128x64xf32, #tpu.memory_space<vmem>>
    %dma_wait3A_208 = arith.constant 0 : i32
    %dma_wait3A_209 = tpu.memref_slice %arg11[%dma_wait3A_204, %dma_wait3A_208] : memref<4x128xi32, #tpu.memory_space<vmem>> -> memref<1x128xi32, #tpu.memory_space<vmem>>
    %dma_wait3A_210 = tpu.memref_squeeze %dma_wait3A_209 : memref<1x128xi32, #tpu.memory_space<vmem>> -> memref<128xi32, #tpu.memory_space<vmem>>
    %dma_wait3A_211 = arith.constant 0 : i32
    %dma_wait3A_212 = arith.constant 0 : i32
    %dma_wait3A_213 = tpu.memref_slice %arg3[%dma_wait3A_211, %dma_wait3A_212] : memref<1000x64xf32, #tpu.memory_space<hbm>> -> memref<1000x64xf32, #tpu.memory_space<hbm>>
    tpu.wait_indirect_dma semaphore(%arg18 : memref<!tpu.dma_semaphore, #tpu.memory_space<semaphore_mem>>) src(%dma_wait3A_213 : memref<1000x64xf32, #tpu.memory_space<hbm>>) dst(%dma_wait3A_207 : memref<128x64xf32, #tpu.memory_space<vmem>>)
    %dma_wait3A_214 = arith.constant 3 : i32
    %dma_wait3A_215 = arith.constant 384 : i32
    %dma_wait3A_216 = arith.constant 0 : i32
    %dma_wait3A_217 = tpu.memref_slice %arg12[%dma_wait3A_215, %dma_wait3A_216] : memref<512x64xf32, #tpu.memory_space<vmem>> -> memref<128x64xf32, #tpu.memory_space<vmem>>
    %dma_wait3A_218 = arith.constant 0 : i32
    %dma_wait3A_219 = tpu.memref_slice %arg9[%dma_wait3A_214, %dma_wait3A_218] : memref<4x128xi32, #tpu.memory_space<vmem>> -> memref<1x128xi32, #tpu.memory_space<vmem>>
    %dma_wait3A_220 = tpu.memref_squeeze %dma_wait3A_219 : memref<1x128xi32, #tpu.memory_space<vmem>> -> memref<128xi32, #tpu.memory_space<vmem>>
    %dma_wait3A_221 = arith.constant 0 : i32
    %dma_wait3A_222 = arith.constant 0 : i32
    %dma_wait3A_223 = tpu.memref_slice %arg2[%dma_wait3A_221, %dma_wait3A_222] : memref<1000000x64xf32, #tpu.memory_space<hbm>> -> memref<1000000x64xf32, #tpu.memory_space<hbm>>
    tpu.wait_indirect_dma semaphore(%arg18 : memref<!tpu.dma_semaphore, #tpu.memory_space<semaphore_mem>>) src(%dma_wait3A_223 : memref<1000000x64xf32, #tpu.memory_space<hbm>>) dst(%dma_wait3A_217 : memref<128x64xf32, #tpu.memory_space<vmem>>)
    %dma_wait3A_224 = arith.constant 3 : i32
    %dma_wait3A_225 = arith.constant 384 : i32
    %dma_wait3A_226 = arith.constant 0 : i32
    %dma_wait3A_227 = tpu.memref_slice %arg13[%dma_wait3A_225, %dma_wait3A_226] : memref<512x64xf32, #tpu.memory_space<vmem>> -> memref<128x64xf32, #tpu.memory_space<vmem>>
    %dma_wait3A_228 = arith.constant 0 : i32
    %dma_wait3A_229 = tpu.memref_slice %arg10[%dma_wait3A_224, %dma_wait3A_228] : memref<4x128xi32, #tpu.memory_space<vmem>> -> memref<1x128xi32, #tpu.memory_space<vmem>>
    %dma_wait3A_230 = tpu.memref_squeeze %dma_wait3A_229 : memref<1x128xi32, #tpu.memory_space<vmem>> -> memref<128xi32, #tpu.memory_space<vmem>>
    %dma_wait3A_231 = arith.constant 0 : i32
    %dma_wait3A_232 = arith.constant 0 : i32
    %dma_wait3A_233 = tpu.memref_slice %arg2[%dma_wait3A_231, %dma_wait3A_232] : memref<1000000x64xf32, #tpu.memory_space<hbm>> -> memref<1000000x64xf32, #tpu.memory_space<hbm>>
    tpu.wait_indirect_dma semaphore(%arg18 : memref<!tpu.dma_semaphore, #tpu.memory_space<semaphore_mem>>) src(%dma_wait3A_233 : memref<1000000x64xf32, #tpu.memory_space<hbm>>) dst(%dma_wait3A_227 : memref<128x64xf32, #tpu.memory_space<vmem>>)
    %dma_wait3A_234 = arith.constant 3 : i32
    %dma_wait3A_235 = arith.constant 384 : i32
    %dma_wait3A_236 = arith.constant 0 : i32
    %dma_wait3A_237 = tpu.memref_slice %arg14[%dma_wait3A_235, %dma_wait3A_236] : memref<512x64xf32, #tpu.memory_space<vmem>> -> memref<128x64xf32, #tpu.memory_space<vmem>>
    %dma_wait3A_238 = arith.constant 0 : i32
    %dma_wait3A_239 = tpu.memref_slice %arg11[%dma_wait3A_234, %dma_wait3A_238] : memref<4x128xi32, #tpu.memory_space<vmem>> -> memref<1x128xi32, #tpu.memory_space<vmem>>
    %dma_wait3A_240 = tpu.memref_squeeze %dma_wait3A_239 : memref<1x128xi32, #tpu.memory_space<vmem>> -> memref<128xi32, #tpu.memory_space<vmem>>
    %dma_wait3A_241 = arith.constant 0 : i32
    %dma_wait3A_242 = arith.constant 0 : i32
    %dma_wait3A_243 = tpu.memref_slice %arg3[%dma_wait3A_241, %dma_wait3A_242] : memref<1000x64xf32, #tpu.memory_space<hbm>> -> memref<1000x64xf32, #tpu.memory_space<hbm>>
    tpu.wait_indirect_dma semaphore(%arg18 : memref<!tpu.dma_semaphore, #tpu.memory_space<semaphore_mem>>) src(%dma_wait3A_243 : memref<1000x64xf32, #tpu.memory_space<hbm>>) dst(%dma_wait3A_237 : memref<128x64xf32, #tpu.memory_space<vmem>>)
    %scan3A = arith.constant 0 : i32
    %scan3A_244 = arith.constant 32 : i32
    %scan3A_245 = arith.addi %scan3A, %scan3A_244 : i32
    %scan3A_246 = arith.constant 1 : i32
    %scan3A_247 = scf.for %scan3A_508 = %scan3A to %scan3A_245 step %scan3A_246 iter_args(%scan3A_509 = %broadcast_in_dim3A_1) -> (vector<16xf32>)  : i32 {
      %scan3A_510 = arith.constant 0 : i32
      %scan3A_511 = arith.constant 16 : i32
      %scan3A_512 = arith.addi %scan3A_510, %scan3A_511 : i32
      %scan3A_513 = arith.constant 1 : i32
      %scan3A_514 = scf.for %scan3A_649 = %scan3A_510 to %scan3A_512 step %scan3A_513 iter_args(%scan3A_650 = %scan3A_509) -> (vector<16xf32>)  : i32 {
        %mul3A_651 = arith.constant 16 : i32
        %mul3A_652 = arith.muli %scan3A_508, %mul3A_651 : i32
        %add3A_653 = arith.addi %mul3A_652, %scan3A_649 : i32
        %broadcast_in_dim3A_654 = arith.constant 0.000000e+00 : f32
        %broadcast_in_dim3A_655 = vector.broadcast %broadcast_in_dim3A_654 : f32 to vector<16xf32>
        %get3A = arith.constant 0 : i32
        %get3A_656 = tpu.memref_slice %arg12[%add3A_653, %get3A] : memref<512x64xf32, #tpu.memory_space<vmem>> -> memref<1x64xf32, #tpu.memory_space<vmem>>
        %get3A_657 = tpu.memref_squeeze %get3A_656 : memref<1x64xf32, #tpu.memory_space<vmem>> -> memref<64xf32, #tpu.memory_space<vmem>>
        %get3A_658 = arith.constant 0 : index
        %get3A_659 = tpu.vector_load %get3A_657[%get3A_658] {strides = array<i32>} : memref<64xf32, #tpu.memory_space<vmem>>, vector<16xf32>,
        %get3A_660 = arith.constant 0 : i32
        %get3A_661 = tpu.memref_slice %arg13[%add3A_653, %get3A_660] : memref<512x64xf32, #tpu.memory_space<vmem>> -> memref<1x64xf32, #tpu.memory_space<vmem>>
        %get3A_662 = tpu.memref_squeeze %get3A_661 : memref<1x64xf32, #tpu.memory_space<vmem>> -> memref<64xf32, #tpu.memory_space<vmem>>
        %get3A_663 = arith.constant 0 : index
        %get3A_664 = tpu.vector_load %get3A_662[%get3A_663] {strides = array<i32>} : memref<64xf32, #tpu.memory_space<vmem>>, vector<16xf32>,
        %get3A_665 = arith.constant 0 : i32
        %get3A_666 = tpu.memref_slice %arg14[%add3A_653, %get3A_665] : memref<512x64xf32, #tpu.memory_space<vmem>> -> memref<1x64xf32, #tpu.memory_space<vmem>>
        %get3A_667 = tpu.memref_squeeze %get3A_666 : memref<1x64xf32, #tpu.memory_space<vmem>> -> memref<64xf32, #tpu.memory_space<vmem>>
        %get3A_668 = arith.constant 0 : index
        %get3A_669 = tpu.vector_load %get3A_667[%get3A_668] {strides = array<i32>} : memref<64xf32, #tpu.memory_space<vmem>>, vector<16xf32>,
        %mul3A_670 = arith.mulf %get3A_659, %get3A_664 : vector<16xf32>
        %mul3A_671 = arith.mulf %mul3A_670, %get3A_669 : vector<16xf32>
        %add3A_672 = arith.addf %broadcast_in_dim3A_655, %mul3A_671 : vector<16xf32>
        %mul3A_673 = arith.mulf %get3A_659, %get3A_659 : vector<16xf32>
        %add3A_674 = arith.addf %scan3A_650, %mul3A_673 : vector<16xf32>
        %mul3A_675 = arith.mulf %get3A_664, %get3A_664 : vector<16xf32>
        %add3A_676 = arith.addf %add3A_674, %mul3A_675 : vector<16xf32>
        %mul3A_677 = arith.mulf %get3A_669, %get3A_669 : vector<16xf32>
        %add3A_678 = arith.addf %add3A_676, %mul3A_677 : vector<16xf32>
        %get3A_679 = arith.constant 0 : i32
        %get3A_680 = tpu.memref_slice %arg12[%add3A_653, %get3A_679] : memref<512x64xf32, #tpu.memory_space<vmem>> -> memref<1x64xf32, #tpu.memory_space<vmem>>
        %get3A_681 = tpu.memref_squeeze %get3A_680 : memref<1x64xf32, #tpu.memory_space<vmem>> -> memref<64xf32, #tpu.memory_space<vmem>>
        %get3A_682 = arith.constant 16 : index
        %get3A_683 = tpu.vector_load %get3A_681[%get3A_682] {strides = array<i32>} : memref<64xf32, #tpu.memory_space<vmem>>, vector<16xf32>,
        %get3A_684 = arith.constant 0 : i32
        %get3A_685 = tpu.memref_slice %arg13[%add3A_653, %get3A_684] : memref<512x64xf32, #tpu.memory_space<vmem>> -> memref<1x64xf32, #tpu.memory_space<vmem>>
        %get3A_686 = tpu.memref_squeeze %get3A_685 : memref<1x64xf32, #tpu.memory_space<vmem>> -> memref<64xf32, #tpu.memory_space<vmem>>
        %get3A_687 = arith.constant 16 : index
        %get3A_688 = tpu.vector_load %get3A_686[%get3A_687] {strides = array<i32>} : memref<64xf32, #tpu.memory_space<vmem>>, vector<16xf32>,
        %get3A_689 = arith.constant 0 : i32
        %get3A_690 = tpu.memref_slice %arg14[%add3A_653, %get3A_689] : memref<512x64xf32, #tpu.memory_space<vmem>> -> memref<1x64xf32, #tpu.memory_space<vmem>>
        %get3A_691 = tpu.memref_squeeze %get3A_690 : memref<1x64xf32, #tpu.memory_space<vmem>> -> memref<64xf32, #tpu.memory_space<vmem>>
        %get3A_692 = arith.constant 16 : index
        %get3A_693 = tpu.vector_load %get3A_691[%get3A_692] {strides = array<i32>} : memref<64xf32, #tpu.memory_space<vmem>>, vector<16xf32>,
        %mul3A_694 = arith.mulf %get3A_683, %get3A_688 : vector<16xf32>
        %mul3A_695 = arith.mulf %mul3A_694, %get3A_693 : vector<16xf32>
        %add3A_696 = arith.addf %add3A_672, %mul3A_695 : vector<16xf32>
        %mul3A_697 = arith.mulf %get3A_683, %get3A_683 : vector<16xf32>
        %add3A_698 = arith.addf %add3A_678, %mul3A_697 : vector<16xf32>
        %mul3A_699 = arith.mulf %get3A_688, %get3A_688 : vector<16xf32>
        %add3A_700 = arith.addf %add3A_698, %mul3A_699 : vector<16xf32>
        %mul3A_701 = arith.mulf %get3A_693, %get3A_693 : vector<16xf32>
        %add3A_702 = arith.addf %add3A_700, %mul3A_701 : vector<16xf32>
        %get3A_703 = arith.constant 0 : i32
        %get3A_704 = tpu.memref_slice %arg12[%add3A_653, %get3A_703] : memref<512x64xf32, #tpu.memory_space<vmem>> -> memref<1x64xf32, #tpu.memory_space<vmem>>
        %get3A_705 = tpu.memref_squeeze %get3A_704 : memref<1x64xf32, #tpu.memory_space<vmem>> -> memref<64xf32, #tpu.memory_space<vmem>>
        %get3A_706 = arith.constant 32 : index
        %get3A_707 = tpu.vector_load %get3A_705[%get3A_706] {strides = array<i32>} : memref<64xf32, #tpu.memory_space<vmem>>, vector<16xf32>,
        %get3A_708 = arith.constant 0 : i32
        %get3A_709 = tpu.memref_slice %arg13[%add3A_653, %get3A_708] : memref<512x64xf32, #tpu.memory_space<vmem>> -> memref<1x64xf32, #tpu.memory_space<vmem>>
        %get3A_710 = tpu.memref_squeeze %get3A_709 : memref<1x64xf32, #tpu.memory_space<vmem>> -> memref<64xf32, #tpu.memory_space<vmem>>
        %get3A_711 = arith.constant 32 : index
        %get3A_712 = tpu.vector_load %get3A_710[%get3A_711] {strides = array<i32>} : memref<64xf32, #tpu.memory_space<vmem>>, vector<16xf32>,
        %get3A_713 = arith.constant 0 : i32
        %get3A_714 = tpu.memref_slice %arg14[%add3A_653, %get3A_713] : memref<512x64xf32, #tpu.memory_space<vmem>> -> memref<1x64xf32, #tpu.memory_space<vmem>>
        %get3A_715 = tpu.memref_squeeze %get3A_714 : memref<1x64xf32, #tpu.memory_space<vmem>> -> memref<64xf32, #tpu.memory_space<vmem>>
        %get3A_716 = arith.constant 32 : index
        %get3A_717 = tpu.vector_load %get3A_715[%get3A_716] {strides = array<i32>} : memref<64xf32, #tpu.memory_space<vmem>>, vector<16xf32>,
        %mul3A_718 = arith.mulf %get3A_707, %get3A_712 : vector<16xf32>
        %mul3A_719 = arith.mulf %mul3A_718, %get3A_717 : vector<16xf32>
        %add3A_720 = arith.addf %add3A_696, %mul3A_719 : vector<16xf32>
        %mul3A_721 = arith.mulf %get3A_707, %get3A_707 : vector<16xf32>
        %add3A_722 = arith.addf %add3A_702, %mul3A_721 : vector<16xf32>
        %mul3A_723 = arith.mulf %get3A_712, %get3A_712 : vector<16xf32>
        %add3A_724 = arith.addf %add3A_722, %mul3A_723 : vector<16xf32>
        %mul3A_725 = arith.mulf %get3A_717, %get3A_717 : vector<16xf32>
        %add3A_726 = arith.addf %add3A_724, %mul3A_725 : vector<16xf32>
        %get3A_727 = arith.constant 0 : i32
        %get3A_728 = tpu.memref_slice %arg12[%add3A_653, %get3A_727] : memref<512x64xf32, #tpu.memory_space<vmem>> -> memref<1x64xf32, #tpu.memory_space<vmem>>
        %get3A_729 = tpu.memref_squeeze %get3A_728 : memref<1x64xf32, #tpu.memory_space<vmem>> -> memref<64xf32, #tpu.memory_space<vmem>>
        %get3A_730 = arith.constant 48 : index
        %get3A_731 = tpu.vector_load %get3A_729[%get3A_730] {strides = array<i32>} : memref<64xf32, #tpu.memory_space<vmem>>, vector<16xf32>,
        %get3A_732 = arith.constant 0 : i32
        %get3A_733 = tpu.memref_slice %arg13[%add3A_653, %get3A_732] : memref<512x64xf32, #tpu.memory_space<vmem>> -> memref<1x64xf32, #tpu.memory_space<vmem>>
        %get3A_734 = tpu.memref_squeeze %get3A_733 : memref<1x64xf32, #tpu.memory_space<vmem>> -> memref<64xf32, #tpu.memory_space<vmem>>
        %get3A_735 = arith.constant 48 : index
        %get3A_736 = tpu.vector_load %get3A_734[%get3A_735] {strides = array<i32>} : memref<64xf32, #tpu.memory_space<vmem>>, vector<16xf32>,
        %get3A_737 = arith.constant 0 : i32
        %get3A_738 = tpu.memref_slice %arg14[%add3A_653, %get3A_737] : memref<512x64xf32, #tpu.memory_space<vmem>> -> memref<1x64xf32, #tpu.memory_space<vmem>>
        %get3A_739 = tpu.memref_squeeze %get3A_738 : memref<1x64xf32, #tpu.memory_space<vmem>> -> memref<64xf32, #tpu.memory_space<vmem>>
        %get3A_740 = arith.constant 48 : index
        %get3A_741 = tpu.vector_load %get3A_739[%get3A_740] {strides = array<i32>} : memref<64xf32, #tpu.memory_space<vmem>>, vector<16xf32>,
        %mul3A_742 = arith.mulf %get3A_731, %get3A_736 : vector<16xf32>
        %mul3A_743 = arith.mulf %mul3A_742, %get3A_741 : vector<16xf32>
        %add3A_744 = arith.addf %add3A_720, %mul3A_743 : vector<16xf32>
        %mul3A_745 = arith.mulf %get3A_731, %get3A_731 : vector<16xf32>
        %add3A_746 = arith.addf %add3A_726, %mul3A_745 : vector<16xf32>
        %mul3A_747 = arith.mulf %get3A_736, %get3A_736 : vector<16xf32>
        %add3A_748 = arith.addf %add3A_746, %mul3A_747 : vector<16xf32>
        %mul3A_749 = arith.mulf %get3A_741, %get3A_741 : vector<16xf32>
        %add3A_750 = arith.addf %add3A_748, %mul3A_749 : vector<16xf32>
        %mul3A_751 = arith.constant 16 : i32
        %mul3A_752 = arith.muli %scan3A_649, %mul3A_751 : i32
        %swap3A_753 = arith.index_cast %mul3A_752 : i32 to index
        %swap3A_754 = tpu.vector_load %arg16[%swap3A_753] {strides = array<i32>} : memref<256xf32, #tpu.memory_space<vmem>>, vector<16xf32>,
        tpu.vector_store %arg16[%swap3A_753], %add3A_744 {strides = array<i32>} : memref<256xf32, #tpu.memory_space<vmem>>, vector<16xf32>,
        scf.yield %add3A_750 : vector<16xf32>
      }
      %scan3A_515 = arith.constant 16 : i32
      %broadcast_in_dim3A_516 = arith.constant 0.000000e+00 : f32
      %broadcast_in_dim3A_517 = vector.broadcast %broadcast_in_dim3A_516 : f32 to vector<16xf32>
      %mul3A_518 = arith.constant 16 : i32
      %mul3A_519 = vector.broadcast %mul3A_518 : i32 to vector<16xi32>
      %mul3A_520 = arith.muli %iota3A, %mul3A_519 : vector<16xi32>
      %add3A_521 = arith.constant 0 : i32
      %add3A_522 = vector.broadcast %add3A_521 : i32 to vector<16xi32>
      %add3A_523 = arith.addi %mul3A_520, %add3A_522 : vector<16xi32>
      %gather3A = tpu.vector_load_idx %arg16[%add3A_523] : memref<256xf32, #tpu.memory_space<vmem>>[vector<16xi32>], vector<16xf32>,
      %add3A_524 = arith.addf %broadcast_in_dim3A_517, %gather3A : vector<16xf32>
      %mul3A_525 = arith.constant 16 : i32
      %mul3A_526 = vector.broadcast %mul3A_525 : i32 to vector<16xi32>
      %mul3A_527 = arith.muli %iota3A, %mul3A_526 : vector<16xi32>
      %add3A_528 = arith.constant 1 : i32
      %add3A_529 = vector.broadcast %add3A_528 : i32 to vector<16xi32>
      %add3A_530 = arith.addi %mul3A_527, %add3A_529 : vector<16xi32>
      %gather3A_531 = tpu.vector_load_idx %arg16[%add3A_530] : memref<256xf32, #tpu.memory_space<vmem>>[vector<16xi32>], vector<16xf32>,
      %add3A_532 = arith.addf %add3A_524, %gather3A_531 : vector<16xf32>
      %mul3A_533 = arith.constant 16 : i32
      %mul3A_534 = vector.broadcast %mul3A_533 : i32 to vector<16xi32>
      %mul3A_535 = arith.muli %iota3A, %mul3A_534 : vector<16xi32>
      %add3A_536 = arith.constant 2 : i32
      %add3A_537 = vector.broadcast %add3A_536 : i32 to vector<16xi32>
      %add3A_538 = arith.addi %mul3A_535, %add3A_537 : vector<16xi32>
      %gather3A_539 = tpu.vector_load_idx %arg16[%add3A_538] : memref<256xf32, #tpu.memory_space<vmem>>[vector<16xi32>], vector<16xf32>,
      %add3A_540 = arith.addf %add3A_532, %gather3A_539 : vector<16xf32>
      %mul3A_541 = arith.constant 16 : i32
      %mul3A_542 = vector.broadcast %mul3A_541 : i32 to vector<16xi32>
      %mul3A_543 = arith.muli %iota3A, %mul3A_542 : vector<16xi32>
      %add3A_544 = arith.constant 3 : i32
      %add3A_545 = vector.broadcast %add3A_544 : i32 to vector<16xi32>
      %add3A_546 = arith.addi %mul3A_543, %add3A_545 : vector<16xi32>
      %gather3A_547 = tpu.vector_load_idx %arg16[%add3A_546] : memref<256xf32, #tpu.memory_space<vmem>>[vector<16xi32>], vector<16xf32>,
      %add3A_548 = arith.addf %add3A_540, %gather3A_547 : vector<16xf32>
      %mul3A_549 = arith.constant 16 : i32
      %mul3A_550 = vector.broadcast %mul3A_549 : i32 to vector<16xi32>
      %mul3A_551 = arith.muli %iota3A, %mul3A_550 : vector<16xi32>
      %add3A_552 = arith.constant 4 : i32
      %add3A_553 = vector.broadcast %add3A_552 : i32 to vector<16xi32>
      %add3A_554 = arith.addi %mul3A_551, %add3A_553 : vector<16xi32>
      %gather3A_555 = tpu.vector_load_idx %arg16[%add3A_554] : memref<256xf32, #tpu.memory_space<vmem>>[vector<16xi32>], vector<16xf32>,
      %add3A_556 = arith.addf %add3A_548, %gather3A_555 : vector<16xf32>
      %mul3A_557 = arith.constant 16 : i32
      %mul3A_558 = vector.broadcast %mul3A_557 : i32 to vector<16xi32>
      %mul3A_559 = arith.muli %iota3A, %mul3A_558 : vector<16xi32>
      %add3A_560 = arith.constant 5 : i32
      %add3A_561 = vector.broadcast %add3A_560 : i32 to vector<16xi32>
      %add3A_562 = arith.addi %mul3A_559, %add3A_561 : vector<16xi32>
      %gather3A_563 = tpu.vector_load_idx %arg16[%add3A_562] : memref<256xf32, #tpu.memory_space<vmem>>[vector<16xi32>], vector<16xf32>,
      %add3A_564 = arith.addf %add3A_556, %gather3A_563 : vector<16xf32>
      %mul3A_565 = arith.constant 16 : i32
      %mul3A_566 = vector.broadcast %mul3A_565 : i32 to vector<16xi32>
      %mul3A_567 = arith.muli %iota3A, %mul3A_566 : vector<16xi32>
      %add3A_568 = arith.constant 6 : i32
      %add3A_569 = vector.broadcast %add3A_568 : i32 to vector<16xi32>
      %add3A_570 = arith.addi %mul3A_567, %add3A_569 : vector<16xi32>
      %gather3A_571 = tpu.vector_load_idx %arg16[%add3A_570] : memref<256xf32, #tpu.memory_space<vmem>>[vector<16xi32>], vector<16xf32>,
      %add3A_572 = arith.addf %add3A_564, %gather3A_571 : vector<16xf32>
      %mul3A_573 = arith.constant 16 : i32
      %mul3A_574 = vector.broadcast %mul3A_573 : i32 to vector<16xi32>
      %mul3A_575 = arith.muli %iota3A, %mul3A_574 : vector<16xi32>
      %add3A_576 = arith.constant 7 : i32
      %add3A_577 = vector.broadcast %add3A_576 : i32 to vector<16xi32>
      %add3A_578 = arith.addi %mul3A_575, %add3A_577 : vector<16xi32>
      %gather3A_579 = tpu.vector_load_idx %arg16[%add3A_578] : memref<256xf32, #tpu.memory_space<vmem>>[vector<16xi32>], vector<16xf32>,
      %add3A_580 = arith.addf %add3A_572, %gather3A_579 : vector<16xf32>
      %mul3A_581 = arith.constant 16 : i32
      %mul3A_582 = vector.broadcast %mul3A_581 : i32 to vector<16xi32>
      %mul3A_583 = arith.muli %iota3A, %mul3A_582 : vector<16xi32>
      %add3A_584 = arith.constant 8 : i32
      %add3A_585 = vector.broadcast %add3A_584 : i32 to vector<16xi32>
      %add3A_586 = arith.addi %mul3A_583, %add3A_585 : vector<16xi32>
      %gather3A_587 = tpu.vector_load_idx %arg16[%add3A_586] : memref<256xf32, #tpu.memory_space<vmem>>[vector<16xi32>], vector<16xf32>,
      %add3A_588 = arith.addf %add3A_580, %gather3A_587 : vector<16xf32>
      %mul3A_589 = arith.constant 16 : i32
      %mul3A_590 = vector.broadcast %mul3A_589 : i32 to vector<16xi32>
      %mul3A_591 = arith.muli %iota3A, %mul3A_590 : vector<16xi32>
      %add3A_592 = arith.constant 9 : i32
      %add3A_593 = vector.broadcast %add3A_592 : i32 to vector<16xi32>
      %add3A_594 = arith.addi %mul3A_591, %add3A_593 : vector<16xi32>
      %gather3A_595 = tpu.vector_load_idx %arg16[%add3A_594] : memref<256xf32, #tpu.memory_space<vmem>>[vector<16xi32>], vector<16xf32>,
      %add3A_596 = arith.addf %add3A_588, %gather3A_595 : vector<16xf32>
      %mul3A_597 = arith.constant 16 : i32
      %mul3A_598 = vector.broadcast %mul3A_597 : i32 to vector<16xi32>
      %mul3A_599 = arith.muli %iota3A, %mul3A_598 : vector<16xi32>
      %add3A_600 = arith.constant 10 : i32
      %add3A_601 = vector.broadcast %add3A_600 : i32 to vector<16xi32>
      %add3A_602 = arith.addi %mul3A_599, %add3A_601 : vector<16xi32>
      %gather3A_603 = tpu.vector_load_idx %arg16[%add3A_602] : memref<256xf32, #tpu.memory_space<vmem>>[vector<16xi32>], vector<16xf32>,
      %add3A_604 = arith.addf %add3A_596, %gather3A_603 : vector<16xf32>
      %mul3A_605 = arith.constant 16 : i32
      %mul3A_606 = vector.broadcast %mul3A_605 : i32 to vector<16xi32>
      %mul3A_607 = arith.muli %iota3A, %mul3A_606 : vector<16xi32>
      %add3A_608 = arith.constant 11 : i32
      %add3A_609 = vector.broadcast %add3A_608 : i32 to vector<16xi32>
      %add3A_610 = arith.addi %mul3A_607, %add3A_609 : vector<16xi32>
      %gather3A_611 = tpu.vector_load_idx %arg16[%add3A_610] : memref<256xf32, #tpu.memory_space<vmem>>[vector<16xi32>], vector<16xf32>,
      %add3A_612 = arith.addf %add3A_604, %gather3A_611 : vector<16xf32>
      %mul3A_613 = arith.constant 16 : i32
      %mul3A_614 = vector.broadcast %mul3A_613 : i32 to vector<16xi32>
      %mul3A_615 = arith.muli %iota3A, %mul3A_614 : vector<16xi32>
      %add3A_616 = arith.constant 12 : i32
      %add3A_617 = vector.broadcast %add3A_616 : i32 to vector<16xi32>
      %add3A_618 = arith.addi %mul3A_615, %add3A_617 : vector<16xi32>
      %gather3A_619 = tpu.vector_load_idx %arg16[%add3A_618] : memref<256xf32, #tpu.memory_space<vmem>>[vector<16xi32>], vector<16xf32>,
      %add3A_620 = arith.addf %add3A_612, %gather3A_619 : vector<16xf32>
      %mul3A_621 = arith.constant 16 : i32
      %mul3A_622 = vector.broadcast %mul3A_621 : i32 to vector<16xi32>
      %mul3A_623 = arith.muli %iota3A, %mul3A_622 : vector<16xi32>
      %add3A_624 = arith.constant 13 : i32
      %add3A_625 = vector.broadcast %add3A_624 : i32 to vector<16xi32>
      %add3A_626 = arith.addi %mul3A_623, %add3A_625 : vector<16xi32>
      %gather3A_627 = tpu.vector_load_idx %arg16[%add3A_626] : memref<256xf32, #tpu.memory_space<vmem>>[vector<16xi32>], vector<16xf32>,
      %add3A_628 = arith.addf %add3A_620, %gather3A_627 : vector<16xf32>
      %mul3A_629 = arith.constant 16 : i32
      %mul3A_630 = vector.broadcast %mul3A_629 : i32 to vector<16xi32>
      %mul3A_631 = arith.muli %iota3A, %mul3A_630 : vector<16xi32>
      %add3A_632 = arith.constant 14 : i32
      %add3A_633 = vector.broadcast %add3A_632 : i32 to vector<16xi32>
      %add3A_634 = arith.addi %mul3A_631, %add3A_633 : vector<16xi32>
      %gather3A_635 = tpu.vector_load_idx %arg16[%add3A_634] : memref<256xf32, #tpu.memory_space<vmem>>[vector<16xi32>], vector<16xf32>,
      %add3A_636 = arith.addf %add3A_628, %gather3A_635 : vector<16xf32>
      %mul3A_637 = arith.constant 16 : i32
      %mul3A_638 = vector.broadcast %mul3A_637 : i32 to vector<16xi32>
      %mul3A_639 = arith.muli %iota3A, %mul3A_638 : vector<16xi32>
      %add3A_640 = arith.constant 15 : i32
      %add3A_641 = vector.broadcast %add3A_640 : i32 to vector<16xi32>
      %add3A_642 = arith.addi %mul3A_639, %add3A_641 : vector<16xi32>
      %gather3A_643 = tpu.vector_load_idx %arg16[%add3A_642] : memref<256xf32, #tpu.memory_space<vmem>>[vector<16xi32>], vector<16xf32>,
      %add3A_644 = arith.addf %add3A_636, %gather3A_643 : vector<16xf32>
      %mul3A_645 = arith.constant 16 : i32
      %mul3A_646 = arith.muli %scan3A_508, %mul3A_645 : i32
      %swap3A_647 = arith.index_cast %mul3A_646 : i32 to index
      %swap3A_648 = tpu.vector_load %arg15[%swap3A_647] {strides = array<i32>} : memref<512xf32, #tpu.memory_space<vmem>>, vector<16xf32>,
      tpu.vector_store %arg15[%swap3A_647], %add3A_644 {strides = array<i32>} : memref<512xf32, #tpu.memory_space<vmem>>, vector<16xf32>,
      scf.yield %scan3A_514 : vector<16xf32>
    }
    %scan3A_248 = arith.constant 32 : i32
    %mul3A_249 = arith.constant 1024 : i32
    %mul3A_250 = arith.muli %add3A, %mul3A_249 : i32
    %add3A_251 = arith.constant 0 : i32
    %add3A_252 = arith.addi %mul3A_250, %add3A_251 : i32
    "tpu.region"() ({
      %run_scoped3A = tpu.sem_alloc : memref<!tpu.dma_semaphore, #tpu.memory_space<semaphore_mem>>
      %dma_start3A_508 = tpu.memref_slice %arg7[%add3A_252] : memref<32768xf32, #tpu.memory_space<hbm>> -> memref<512xf32, #tpu.memory_space<hbm>>
      %dma_start3A_509 = tpu.memref_slice %arg7[%add3A_252] : memref<32768xf32, #tpu.memory_space<hbm>> -> memref<512xf32, #tpu.memory_space<hbm>>
      tpu.enqueue_dma source(%arg15 : memref<512xf32, #tpu.memory_space<vmem>>) target(%dma_start3A_509 : memref<512xf32, #tpu.memory_space<hbm>>) target_semaphore(%run_scoped3A : memref<!tpu.dma_semaphore, #tpu.memory_space<semaphore_mem>>)
      %dma_wait3A_510 = tpu.memref_slice %arg7[%add3A_252] : memref<32768xf32, #tpu.memory_space<hbm>> -> memref<512xf32, #tpu.memory_space<hbm>>
      %dma_wait3A_511 = tpu.memref_slice %arg7[%add3A_252] : memref<32768xf32, #tpu.memory_space<hbm>> -> memref<512xf32, #tpu.memory_space<hbm>>
      tpu.wait_dma2 semaphore(%run_scoped3A : memref<!tpu.dma_semaphore, #tpu.memory_space<semaphore_mem>>) src(%arg15 : memref<512xf32, #tpu.memory_space<vmem>>) dst(%dma_wait3A_511 : memref<512xf32, #tpu.memory_space<hbm>>)
      tpu.yield
    }) : () -> ()
    %mul3A_253 = arith.constant 8 : i32
    %mul3A_254 = arith.muli %add3A, %mul3A_253 : i32
    %add3A_255 = arith.constant 4 : i32
    %add3A_256 = arith.addi %mul3A_254, %add3A_255 : i32
    "tpu.region"() ({
      %run_scoped3A = tpu.sem_alloc : memref<!tpu.dma_semaphore, #tpu.memory_space<semaphore_mem>>
      %dma_start3A_508 = arith.constant 0 : i32
      %dma_start3A_509 = tpu.memref_slice %arg4[%add3A_256, %dma_start3A_508] : memref<256x128xi32, #tpu.memory_space<hbm>> -> memref<4x128xi32, #tpu.memory_space<hbm>>
      %dma_start3A_510 = arith.constant 0 : i32
      %dma_start3A_511 = tpu.memref_slice %arg4[%add3A_256, %dma_start3A_510] : memref<256x128xi32, #tpu.memory_space<hbm>> -> memref<4x128xi32, #tpu.memory_space<hbm>>
      tpu.enqueue_dma source(%dma_start3A_511 : memref<4x128xi32, #tpu.memory_space<hbm>>) target(%arg9 : memref<4x128xi32, #tpu.memory_space<vmem>>) target_semaphore(%run_scoped3A : memref<!tpu.dma_semaphore, #tpu.memory_space<semaphore_mem>>)
      %dma_wait3A_512 = arith.constant 0 : i32
      %dma_wait3A_513 = tpu.memref_slice %arg4[%add3A_256, %dma_wait3A_512] : memref<256x128xi32, #tpu.memory_space<hbm>> -> memref<4x128xi32, #tpu.memory_space<hbm>>
      %dma_wait3A_514 = arith.constant 0 : i32
      %dma_wait3A_515 = tpu.memref_slice %arg4[%add3A_256, %dma_wait3A_514] : memref<256x128xi32, #tpu.memory_space<hbm>> -> memref<4x128xi32, #tpu.memory_space<hbm>>
      tpu.wait_dma2 semaphore(%run_scoped3A : memref<!tpu.dma_semaphore, #tpu.memory_space<semaphore_mem>>) src(%dma_wait3A_515 : memref<4x128xi32, #tpu.memory_space<hbm>>) dst(%arg9 : memref<4x128xi32, #tpu.memory_space<vmem>>)
      tpu.yield
    }) : () -> ()
    "tpu.region"() ({
      %run_scoped3A = tpu.sem_alloc : memref<!tpu.dma_semaphore, #tpu.memory_space<semaphore_mem>>
      %dma_start3A_508 = arith.constant 0 : i32
      %dma_start3A_509 = tpu.memref_slice %arg5[%add3A_256, %dma_start3A_508] : memref<256x128xi32, #tpu.memory_space<hbm>> -> memref<4x128xi32, #tpu.memory_space<hbm>>
      %dma_start3A_510 = arith.constant 0 : i32
      %dma_start3A_511 = tpu.memref_slice %arg5[%add3A_256, %dma_start3A_510] : memref<256x128xi32, #tpu.memory_space<hbm>> -> memref<4x128xi32, #tpu.memory_space<hbm>>
      tpu.enqueue_dma source(%dma_start3A_511 : memref<4x128xi32, #tpu.memory_space<hbm>>) target(%arg10 : memref<4x128xi32, #tpu.memory_space<vmem>>) target_semaphore(%run_scoped3A : memref<!tpu.dma_semaphore, #tpu.memory_space<semaphore_mem>>)
      %dma_wait3A_512 = arith.constant 0 : i32
      %dma_wait3A_513 = tpu.memref_slice %arg5[%add3A_256, %dma_wait3A_512] : memref<256x128xi32, #tpu.memory_space<hbm>> -> memref<4x128xi32, #tpu.memory_space<hbm>>
      %dma_wait3A_514 = arith.constant 0 : i32
      %dma_wait3A_515 = tpu.memref_slice %arg5[%add3A_256, %dma_wait3A_514] : memref<256x128xi32, #tpu.memory_space<hbm>> -> memref<4x128xi32, #tpu.memory_space<hbm>>
      tpu.wait_dma2 semaphore(%run_scoped3A : memref<!tpu.dma_semaphore, #tpu.memory_space<semaphore_mem>>) src(%dma_wait3A_515 : memref<4x128xi32, #tpu.memory_space<hbm>>) dst(%arg10 : memref<4x128xi32, #tpu.memory_space<vmem>>)
      tpu.yield
    }) : () -> ()
    "tpu.region"() ({
      %run_scoped3A = tpu.sem_alloc : memref<!tpu.dma_semaphore, #tpu.memory_space<semaphore_mem>>
      %dma_start3A_508 = arith.constant 0 : i32
      %dma_start3A_509 = tpu.memref_slice %arg6[%add3A_256, %dma_start3A_508] : memref<256x128xi32, #tpu.memory_space<hbm>> -> memref<4x128xi32, #tpu.memory_space<hbm>>
      %dma_start3A_510 = arith.constant 0 : i32
      %dma_start3A_511 = tpu.memref_slice %arg6[%add3A_256, %dma_start3A_510] : memref<256x128xi32, #tpu.memory_space<hbm>> -> memref<4x128xi32, #tpu.memory_space<hbm>>
      tpu.enqueue_dma source(%dma_start3A_511 : memref<4x128xi32, #tpu.memory_space<hbm>>) target(%arg11 : memref<4x128xi32, #tpu.memory_space<vmem>>) target_semaphore(%run_scoped3A : memref<!tpu.dma_semaphore, #tpu.memory_space<semaphore_mem>>)
      %dma_wait3A_512 = arith.constant 0 : i32
      %dma_wait3A_513 = tpu.memref_slice %arg6[%add3A_256, %dma_wait3A_512] : memref<256x128xi32, #tpu.memory_space<hbm>> -> memref<4x128xi32, #tpu.memory_space<hbm>>
      %dma_wait3A_514 = arith.constant 0 : i32
      %dma_wait3A_515 = tpu.memref_slice %arg6[%add3A_256, %dma_wait3A_514] : memref<256x128xi32, #tpu.memory_space<hbm>> -> memref<4x128xi32, #tpu.memory_space<hbm>>
      tpu.wait_dma2 semaphore(%run_scoped3A : memref<!tpu.dma_semaphore, #tpu.memory_space<semaphore_mem>>) src(%dma_wait3A_515 : memref<4x128xi32, #tpu.memory_space<hbm>>) dst(%arg11 : memref<4x128xi32, #tpu.memory_space<vmem>>)
      tpu.yield
    }) : () -> ()
    %dma_start3A_257 = arith.constant 0 : i32
    %dma_start3A_258 = arith.constant 0 : i32
    %dma_start3A_259 = arith.constant 0 : i32
    %dma_start3A_260 = tpu.memref_slice %arg12[%dma_start3A_258, %dma_start3A_259] : memref<512x64xf32, #tpu.memory_space<vmem>> -> memref<128x64xf32, #tpu.memory_space<vmem>>
    %dma_start3A_261 = arith.constant 0 : i32
    %dma_start3A_262 = tpu.memref_slice %arg9[%dma_start3A_257, %dma_start3A_261] : memref<4x128xi32, #tpu.memory_space<vmem>> -> memref<1x128xi32, #tpu.memory_space<vmem>>
    %dma_start3A_263 = tpu.memref_squeeze %dma_start3A_262 : memref<1x128xi32, #tpu.memory_space<vmem>> -> memref<128xi32, #tpu.memory_space<vmem>>
    %dma_start3A_264 = arith.constant 0 : i32
    %dma_start3A_265 = arith.constant 0 : i32
    %dma_start3A_266 = tpu.memref_slice %arg2[%dma_start3A_264, %dma_start3A_265] : memref<1000000x64xf32, #tpu.memory_space<hbm>> -> memref<1000000x64xf32, #tpu.memory_space<hbm>>
    tpu.enqueue_indirect_dma source(%dma_start3A_266 : memref<1000000x64xf32, #tpu.memory_space<hbm>>) target(%dma_start3A_260 : memref<128x64xf32, #tpu.memory_space<vmem>>) offsets(%dma_start3A_263 : memref<128xi32, #tpu.memory_space<vmem>>) semaphore(%arg18 : memref<!tpu.dma_semaphore, #tpu.memory_space<semaphore_mem>>)
    %dma_start3A_267 = arith.constant 0 : i32
    %dma_start3A_268 = arith.constant 0 : i32
    %dma_start3A_269 = arith.constant 0 : i32
    %dma_start3A_270 = tpu.memref_slice %arg13[%dma_start3A_268, %dma_start3A_269] : memref<512x64xf32, #tpu.memory_space<vmem>> -> memref<128x64xf32, #tpu.memory_space<vmem>>
    %dma_start3A_271 = arith.constant 0 : i32
    %dma_start3A_272 = tpu.memref_slice %arg10[%dma_start3A_267, %dma_start3A_271] : memref<4x128xi32, #tpu.memory_space<vmem>> -> memref<1x128xi32, #tpu.memory_space<vmem>>
    %dma_start3A_273 = tpu.memref_squeeze %dma_start3A_272 : memref<1x128xi32, #tpu.memory_space<vmem>> -> memref<128xi32, #tpu.memory_space<vmem>>
    %dma_start3A_274 = arith.constant 0 : i32
    %dma_start3A_275 = arith.constant 0 : i32
    %dma_start3A_276 = tpu.memref_slice %arg2[%dma_start3A_274, %dma_start3A_275] : memref<1000000x64xf32, #tpu.memory_space<hbm>> -> memref<1000000x64xf32, #tpu.memory_space<hbm>>
    tpu.enqueue_indirect_dma source(%dma_start3A_276 : memref<1000000x64xf32, #tpu.memory_space<hbm>>) target(%dma_start3A_270 : memref<128x64xf32, #tpu.memory_space<vmem>>) offsets(%dma_start3A_273 : memref<128xi32, #tpu.memory_space<vmem>>) semaphore(%arg18 : memref<!tpu.dma_semaphore, #tpu.memory_space<semaphore_mem>>)
    %dma_start3A_277 = arith.constant 0 : i32
    %dma_start3A_278 = arith.constant 0 : i32
    %dma_start3A_279 = arith.constant 0 : i32
    %dma_start3A_280 = tpu.memref_slice %arg14[%dma_start3A_278, %dma_start3A_279] : memref<512x64xf32, #tpu.memory_space<vmem>> -> memref<128x64xf32, #tpu.memory_space<vmem>>
    %dma_start3A_281 = arith.constant 0 : i32
    %dma_start3A_282 = tpu.memref_slice %arg11[%dma_start3A_277, %dma_start3A_281] : memref<4x128xi32, #tpu.memory_space<vmem>> -> memref<1x128xi32, #tpu.memory_space<vmem>>
    %dma_start3A_283 = tpu.memref_squeeze %dma_start3A_282 : memref<1x128xi32, #tpu.memory_space<vmem>> -> memref<128xi32, #tpu.memory_space<vmem>>
    %dma_start3A_284 = arith.constant 0 : i32
    %dma_start3A_285 = arith.constant 0 : i32
    %dma_start3A_286 = tpu.memref_slice %arg3[%dma_start3A_284, %dma_start3A_285] : memref<1000x64xf32, #tpu.memory_space<hbm>> -> memref<1000x64xf32, #tpu.memory_space<hbm>>
    tpu.enqueue_indirect_dma source(%dma_start3A_286 : memref<1000x64xf32, #tpu.memory_space<hbm>>) target(%dma_start3A_280 : memref<128x64xf32, #tpu.memory_space<vmem>>) offsets(%dma_start3A_283 : memref<128xi32, #tpu.memory_space<vmem>>) semaphore(%arg18 : memref<!tpu.dma_semaphore, #tpu.memory_space<semaphore_mem>>)
    %dma_start3A_287 = arith.constant 1 : i32
    %dma_start3A_288 = arith.constant 128 : i32
    %dma_start3A_289 = arith.constant 0 : i32
    %dma_start3A_290 = tpu.memref_slice %arg12[%dma_start3A_288, %dma_start3A_289] : memref<512x64xf32, #tpu.memory_space<vmem>> -> memref<128x64xf32, #tpu.memory_space<vmem>>
    %dma_start3A_291 = arith.constant 0 : i32
    %dma_start3A_292 = tpu.memref_slice %arg9[%dma_start3A_287, %dma_start3A_291] : memref<4x128xi32, #tpu.memory_space<vmem>> -> memref<1x128xi32, #tpu.memory_space<vmem>>
    %dma_start3A_293 = tpu.memref_squeeze %dma_start3A_292 : memref<1x128xi32, #tpu.memory_space<vmem>> -> memref<128xi32, #tpu.memory_space<vmem>>
    %dma_start3A_294 = arith.constant 0 : i32
    %dma_start3A_295 = arith.constant 0 : i32
    %dma_start3A_296 = tpu.memref_slice %arg2[%dma_start3A_294, %dma_start3A_295] : memref<1000000x64xf32, #tpu.memory_space<hbm>> -> memref<1000000x64xf32, #tpu.memory_space<hbm>>
    tpu.enqueue_indirect_dma source(%dma_start3A_296 : memref<1000000x64xf32, #tpu.memory_space<hbm>>) target(%dma_start3A_290 : memref<128x64xf32, #tpu.memory_space<vmem>>) offsets(%dma_start3A_293 : memref<128xi32, #tpu.memory_space<vmem>>) semaphore(%arg18 : memref<!tpu.dma_semaphore, #tpu.memory_space<semaphore_mem>>)
    %dma_start3A_297 = arith.constant 1 : i32
    %dma_start3A_298 = arith.constant 128 : i32
    %dma_start3A_299 = arith.constant 0 : i32
    %dma_start3A_300 = tpu.memref_slice %arg13[%dma_start3A_298, %dma_start3A_299] : memref<512x64xf32, #tpu.memory_space<vmem>> -> memref<128x64xf32, #tpu.memory_space<vmem>>
    %dma_start3A_301 = arith.constant 0 : i32
    %dma_start3A_302 = tpu.memref_slice %arg10[%dma_start3A_297, %dma_start3A_301] : memref<4x128xi32, #tpu.memory_space<vmem>> -> memref<1x128xi32, #tpu.memory_space<vmem>>
    %dma_start3A_303 = tpu.memref_squeeze %dma_start3A_302 : memref<1x128xi32, #tpu.memory_space<vmem>> -> memref<128xi32, #tpu.memory_space<vmem>>
    %dma_start3A_304 = arith.constant 0 : i32
    %dma_start3A_305 = arith.constant 0 : i32
    %dma_start3A_306 = tpu.memref_slice %arg2[%dma_start3A_304, %dma_start3A_305] : memref<1000000x64xf32, #tpu.memory_space<hbm>> -> memref<1000000x64xf32, #tpu.memory_space<hbm>>
    tpu.enqueue_indirect_dma source(%dma_start3A_306 : memref<1000000x64xf32, #tpu.memory_space<hbm>>) target(%dma_start3A_300 : memref<128x64xf32, #tpu.memory_space<vmem>>) offsets(%dma_start3A_303 : memref<128xi32, #tpu.memory_space<vmem>>) semaphore(%arg18 : memref<!tpu.dma_semaphore, #tpu.memory_space<semaphore_mem>>)
    %dma_start3A_307 = arith.constant 1 : i32
    %dma_start3A_308 = arith.constant 128 : i32
    %dma_start3A_309 = arith.constant 0 : i32
    %dma_start3A_310 = tpu.memref_slice %arg14[%dma_start3A_308, %dma_start3A_309] : memref<512x64xf32, #tpu.memory_space<vmem>> -> memref<128x64xf32, #tpu.memory_space<vmem>>
    %dma_start3A_311 = arith.constant 0 : i32
    %dma_start3A_312 = tpu.memref_slice %arg11[%dma_start3A_307, %dma_start3A_311] : memref<4x128xi32, #tpu.memory_space<vmem>> -> memref<1x128xi32, #tpu.memory_space<vmem>>
    %dma_start3A_313 = tpu.memref_squeeze %dma_start3A_312 : memref<1x128xi32, #tpu.memory_space<vmem>> -> memref<128xi32, #tpu.memory_space<vmem>>
    %dma_start3A_314 = arith.constant 0 : i32
    %dma_start3A_315 = arith.constant 0 : i32
    %dma_start3A_316 = tpu.memref_slice %arg3[%dma_start3A_314, %dma_start3A_315] : memref<1000x64xf32, #tpu.memory_space<hbm>> -> memref<1000x64xf32, #tpu.memory_space<hbm>>
    tpu.enqueue_indirect_dma source(%dma_start3A_316 : memref<1000x64xf32, #tpu.memory_space<hbm>>) target(%dma_start3A_310 : memref<128x64xf32, #tpu.memory_space<vmem>>) offsets(%dma_start3A_313 : memref<128xi32, #tpu.memory_space<vmem>>) semaphore(%arg18 : memref<!tpu.dma_semaphore, #tpu.memory_space<semaphore_mem>>)
    %dma_start3A_317 = arith.constant 2 : i32
    %dma_start3A_318 = arith.constant 256 : i32
    %dma_start3A_319 = arith.constant 0 : i32
    %dma_start3A_320 = tpu.memref_slice %arg12[%dma_start3A_318, %dma_start3A_319] : memref<512x64xf32, #tpu.memory_space<vmem>> -> memref<128x64xf32, #tpu.memory_space<vmem>>
    %dma_start3A_321 = arith.constant 0 : i32
    %dma_start3A_322 = tpu.memref_slice %arg9[%dma_start3A_317, %dma_start3A_321] : memref<4x128xi32, #tpu.memory_space<vmem>> -> memref<1x128xi32, #tpu.memory_space<vmem>>
    %dma_start3A_323 = tpu.memref_squeeze %dma_start3A_322 : memref<1x128xi32, #tpu.memory_space<vmem>> -> memref<128xi32, #tpu.memory_space<vmem>>
    %dma_start3A_324 = arith.constant 0 : i32
    %dma_start3A_325 = arith.constant 0 : i32
    %dma_start3A_326 = tpu.memref_slice %arg2[%dma_start3A_324, %dma_start3A_325] : memref<1000000x64xf32, #tpu.memory_space<hbm>> -> memref<1000000x64xf32, #tpu.memory_space<hbm>>
    tpu.enqueue_indirect_dma source(%dma_start3A_326 : memref<1000000x64xf32, #tpu.memory_space<hbm>>) target(%dma_start3A_320 : memref<128x64xf32, #tpu.memory_space<vmem>>) offsets(%dma_start3A_323 : memref<128xi32, #tpu.memory_space<vmem>>) semaphore(%arg18 : memref<!tpu.dma_semaphore, #tpu.memory_space<semaphore_mem>>)
    %dma_start3A_327 = arith.constant 2 : i32
    %dma_start3A_328 = arith.constant 256 : i32
    %dma_start3A_329 = arith.constant 0 : i32
    %dma_start3A_330 = tpu.memref_slice %arg13[%dma_start3A_328, %dma_start3A_329] : memref<512x64xf32, #tpu.memory_space<vmem>> -> memref<128x64xf32, #tpu.memory_space<vmem>>
    %dma_start3A_331 = arith.constant 0 : i32
    %dma_start3A_332 = tpu.memref_slice %arg10[%dma_start3A_327, %dma_start3A_331] : memref<4x128xi32, #tpu.memory_space<vmem>> -> memref<1x128xi32, #tpu.memory_space<vmem>>
    %dma_start3A_333 = tpu.memref_squeeze %dma_start3A_332 : memref<1x128xi32, #tpu.memory_space<vmem>> -> memref<128xi32, #tpu.memory_space<vmem>>
    %dma_start3A_334 = arith.constant 0 : i32
    %dma_start3A_335 = arith.constant 0 : i32
    %dma_start3A_336 = tpu.memref_slice %arg2[%dma_start3A_334, %dma_start3A_335] : memref<1000000x64xf32, #tpu.memory_space<hbm>> -> memref<1000000x64xf32, #tpu.memory_space<hbm>>
    tpu.enqueue_indirect_dma source(%dma_start3A_336 : memref<1000000x64xf32, #tpu.memory_space<hbm>>) target(%dma_start3A_330 : memref<128x64xf32, #tpu.memory_space<vmem>>) offsets(%dma_start3A_333 : memref<128xi32, #tpu.memory_space<vmem>>) semaphore(%arg18 : memref<!tpu.dma_semaphore, #tpu.memory_space<semaphore_mem>>)
    %dma_start3A_337 = arith.constant 2 : i32
    %dma_start3A_338 = arith.constant 256 : i32
    %dma_start3A_339 = arith.constant 0 : i32
    %dma_start3A_340 = tpu.memref_slice %arg14[%dma_start3A_338, %dma_start3A_339] : memref<512x64xf32, #tpu.memory_space<vmem>> -> memref<128x64xf32, #tpu.memory_space<vmem>>
    %dma_start3A_341 = arith.constant 0 : i32
    %dma_start3A_342 = tpu.memref_slice %arg11[%dma_start3A_337, %dma_start3A_341] : memref<4x128xi32, #tpu.memory_space<vmem>> -> memref<1x128xi32, #tpu.memory_space<vmem>>
    %dma_start3A_343 = tpu.memref_squeeze %dma_start3A_342 : memref<1x128xi32, #tpu.memory_space<vmem>> -> memref<128xi32, #tpu.memory_space<vmem>>
    %dma_start3A_344 = arith.constant 0 : i32
    %dma_start3A_345 = arith.constant 0 : i32
    %dma_start3A_346 = tpu.memref_slice %arg3[%dma_start3A_344, %dma_start3A_345] : memref<1000x64xf32, #tpu.memory_space<hbm>> -> memref<1000x64xf32, #tpu.memory_space<hbm>>
    tpu.enqueue_indirect_dma source(%dma_start3A_346 : memref<1000x64xf32, #tpu.memory_space<hbm>>) target(%dma_start3A_340 : memref<128x64xf32, #tpu.memory_space<vmem>>) offsets(%dma_start3A_343 : memref<128xi32, #tpu.memory_space<vmem>>) semaphore(%arg18 : memref<!tpu.dma_semaphore, #tpu.memory_space<semaphore_mem>>)
    %dma_start3A_347 = arith.constant 3 : i32
    %dma_start3A_348 = arith.constant 384 : i32
    %dma_start3A_349 = arith.constant 0 : i32
    %dma_start3A_350 = tpu.memref_slice %arg12[%dma_start3A_348, %dma_start3A_349] : memref<512x64xf32, #tpu.memory_space<vmem>> -> memref<128x64xf32, #tpu.memory_space<vmem>>
    %dma_start3A_351 = arith.constant 0 : i32
    %dma_start3A_352 = tpu.memref_slice %arg9[%dma_start3A_347, %dma_start3A_351] : memref<4x128xi32, #tpu.memory_space<vmem>> -> memref<1x128xi32, #tpu.memory_space<vmem>>
    %dma_start3A_353 = tpu.memref_squeeze %dma_start3A_352 : memref<1x128xi32, #tpu.memory_space<vmem>> -> memref<128xi32, #tpu.memory_space<vmem>>
    %dma_start3A_354 = arith.constant 0 : i32
    %dma_start3A_355 = arith.constant 0 : i32
    %dma_start3A_356 = tpu.memref_slice %arg2[%dma_start3A_354, %dma_start3A_355] : memref<1000000x64xf32, #tpu.memory_space<hbm>> -> memref<1000000x64xf32, #tpu.memory_space<hbm>>
    tpu.enqueue_indirect_dma source(%dma_start3A_356 : memref<1000000x64xf32, #tpu.memory_space<hbm>>) target(%dma_start3A_350 : memref<128x64xf32, #tpu.memory_space<vmem>>) offsets(%dma_start3A_353 : memref<128xi32, #tpu.memory_space<vmem>>) semaphore(%arg18 : memref<!tpu.dma_semaphore, #tpu.memory_space<semaphore_mem>>)
    %dma_start3A_357 = arith.constant 3 : i32
    %dma_start3A_358 = arith.constant 384 : i32
    %dma_start3A_359 = arith.constant 0 : i32
    %dma_start3A_360 = tpu.memref_slice %arg13[%dma_start3A_358, %dma_start3A_359] : memref<512x64xf32, #tpu.memory_space<vmem>> -> memref<128x64xf32, #tpu.memory_space<vmem>>
    %dma_start3A_361 = arith.constant 0 : i32
    %dma_start3A_362 = tpu.memref_slice %arg10[%dma_start3A_357, %dma_start3A_361] : memref<4x128xi32, #tpu.memory_space<vmem>> -> memref<1x128xi32, #tpu.memory_space<vmem>>
    %dma_start3A_363 = tpu.memref_squeeze %dma_start3A_362 : memref<1x128xi32, #tpu.memory_space<vmem>> -> memref<128xi32, #tpu.memory_space<vmem>>
    %dma_start3A_364 = arith.constant 0 : i32
    %dma_start3A_365 = arith.constant 0 : i32
    %dma_start3A_366 = tpu.memref_slice %arg2[%dma_start3A_364, %dma_start3A_365] : memref<1000000x64xf32, #tpu.memory_space<hbm>> -> memref<1000000x64xf32, #tpu.memory_space<hbm>>
    tpu.enqueue_indirect_dma source(%dma_start3A_366 : memref<1000000x64xf32, #tpu.memory_space<hbm>>) target(%dma_start3A_360 : memref<128x64xf32, #tpu.memory_space<vmem>>) offsets(%dma_start3A_363 : memref<128xi32, #tpu.memory_space<vmem>>) semaphore(%arg18 : memref<!tpu.dma_semaphore, #tpu.memory_space<semaphore_mem>>)
    %dma_start3A_367 = arith.constant 3 : i32
    %dma_start3A_368 = arith.constant 384 : i32
    %dma_start3A_369 = arith.constant 0 : i32
    %dma_start3A_370 = tpu.memref_slice %arg14[%dma_start3A_368, %dma_start3A_369] : memref<512x64xf32, #tpu.memory_space<vmem>> -> memref<128x64xf32, #tpu.memory_space<vmem>>
    %dma_start3A_371 = arith.constant 0 : i32
    %dma_start3A_372 = tpu.memref_slice %arg11[%dma_start3A_367, %dma_start3A_371] : memref<4x128xi32, #tpu.memory_space<vmem>> -> memref<1x128xi32, #tpu.memory_space<vmem>>
    %dma_start3A_373 = tpu.memref_squeeze %dma_start3A_372 : memref<1x128xi32, #tpu.memory_space<vmem>> -> memref<128xi32, #tpu.memory_space<vmem>>
    %dma_start3A_374 = arith.constant 0 : i32
    %dma_start3A_375 = arith.constant 0 : i32
    %dma_start3A_376 = tpu.memref_slice %arg3[%dma_start3A_374, %dma_start3A_375] : memref<1000x64xf32, #tpu.memory_space<hbm>> -> memref<1000x64xf32, #tpu.memory_space<hbm>>
    tpu.enqueue_indirect_dma source(%dma_start3A_376 : memref<1000x64xf32, #tpu.memory_space<hbm>>) target(%dma_start3A_370 : memref<128x64xf32, #tpu.memory_space<vmem>>) offsets(%dma_start3A_373 : memref<128xi32, #tpu.memory_space<vmem>>) semaphore(%arg18 : memref<!tpu.dma_semaphore, #tpu.memory_space<semaphore_mem>>)
    %dma_wait3A_377 = arith.constant 0 : i32
    %dma_wait3A_378 = arith.constant 0 : i32
    %dma_wait3A_379 = arith.constant 0 : i32
    %dma_wait3A_380 = tpu.memref_slice %arg12[%dma_wait3A_378, %dma_wait3A_379] : memref<512x64xf32, #tpu.memory_space<vmem>> -> memref<128x64xf32, #tpu.memory_space<vmem>>
    %dma_wait3A_381 = arith.constant 0 : i32
    %dma_wait3A_382 = tpu.memref_slice %arg9[%dma_wait3A_377, %dma_wait3A_381] : memref<4x128xi32, #tpu.memory_space<vmem>> -> memref<1x128xi32, #tpu.memory_space<vmem>>
    %dma_wait3A_383 = tpu.memref_squeeze %dma_wait3A_382 : memref<1x128xi32, #tpu.memory_space<vmem>> -> memref<128xi32, #tpu.memory_space<vmem>>
    %dma_wait3A_384 = arith.constant 0 : i32
    %dma_wait3A_385 = arith.constant 0 : i32
    %dma_wait3A_386 = tpu.memref_slice %arg2[%dma_wait3A_384, %dma_wait3A_385] : memref<1000000x64xf32, #tpu.memory_space<hbm>> -> memref<1000000x64xf32, #tpu.memory_space<hbm>>
    tpu.wait_indirect_dma semaphore(%arg18 : memref<!tpu.dma_semaphore, #tpu.memory_space<semaphore_mem>>) src(%dma_wait3A_386 : memref<1000000x64xf32, #tpu.memory_space<hbm>>) dst(%dma_wait3A_380 : memref<128x64xf32, #tpu.memory_space<vmem>>)
    %dma_wait3A_387 = arith.constant 0 : i32
    %dma_wait3A_388 = arith.constant 0 : i32
    %dma_wait3A_389 = arith.constant 0 : i32
    %dma_wait3A_390 = tpu.memref_slice %arg13[%dma_wait3A_388, %dma_wait3A_389] : memref<512x64xf32, #tpu.memory_space<vmem>> -> memref<128x64xf32, #tpu.memory_space<vmem>>
    %dma_wait3A_391 = arith.constant 0 : i32
    %dma_wait3A_392 = tpu.memref_slice %arg10[%dma_wait3A_387, %dma_wait3A_391] : memref<4x128xi32, #tpu.memory_space<vmem>> -> memref<1x128xi32, #tpu.memory_space<vmem>>
    %dma_wait3A_393 = tpu.memref_squeeze %dma_wait3A_392 : memref<1x128xi32, #tpu.memory_space<vmem>> -> memref<128xi32, #tpu.memory_space<vmem>>
    %dma_wait3A_394 = arith.constant 0 : i32
    %dma_wait3A_395 = arith.constant 0 : i32
    %dma_wait3A_396 = tpu.memref_slice %arg2[%dma_wait3A_394, %dma_wait3A_395] : memref<1000000x64xf32, #tpu.memory_space<hbm>> -> memref<1000000x64xf32, #tpu.memory_space<hbm>>
    tpu.wait_indirect_dma semaphore(%arg18 : memref<!tpu.dma_semaphore, #tpu.memory_space<semaphore_mem>>) src(%dma_wait3A_396 : memref<1000000x64xf32, #tpu.memory_space<hbm>>) dst(%dma_wait3A_390 : memref<128x64xf32, #tpu.memory_space<vmem>>)
    %dma_wait3A_397 = arith.constant 0 : i32
    %dma_wait3A_398 = arith.constant 0 : i32
    %dma_wait3A_399 = arith.constant 0 : i32
    %dma_wait3A_400 = tpu.memref_slice %arg14[%dma_wait3A_398, %dma_wait3A_399] : memref<512x64xf32, #tpu.memory_space<vmem>> -> memref<128x64xf32, #tpu.memory_space<vmem>>
    %dma_wait3A_401 = arith.constant 0 : i32
    %dma_wait3A_402 = tpu.memref_slice %arg11[%dma_wait3A_397, %dma_wait3A_401] : memref<4x128xi32, #tpu.memory_space<vmem>> -> memref<1x128xi32, #tpu.memory_space<vmem>>
    %dma_wait3A_403 = tpu.memref_squeeze %dma_wait3A_402 : memref<1x128xi32, #tpu.memory_space<vmem>> -> memref<128xi32, #tpu.memory_space<vmem>>
    %dma_wait3A_404 = arith.constant 0 : i32
    %dma_wait3A_405 = arith.constant 0 : i32
    %dma_wait3A_406 = tpu.memref_slice %arg3[%dma_wait3A_404, %dma_wait3A_405] : memref<1000x64xf32, #tpu.memory_space<hbm>> -> memref<1000x64xf32, #tpu.memory_space<hbm>>
    tpu.wait_indirect_dma semaphore(%arg18 : memref<!tpu.dma_semaphore, #tpu.memory_space<semaphore_mem>>) src(%dma_wait3A_406 : memref<1000x64xf32, #tpu.memory_space<hbm>>) dst(%dma_wait3A_400 : memref<128x64xf32, #tpu.memory_space<vmem>>)
    %dma_wait3A_407 = arith.constant 1 : i32
    %dma_wait3A_408 = arith.constant 128 : i32
    %dma_wait3A_409 = arith.constant 0 : i32
    %dma_wait3A_410 = tpu.memref_slice %arg12[%dma_wait3A_408, %dma_wait3A_409] : memref<512x64xf32, #tpu.memory_space<vmem>> -> memref<128x64xf32, #tpu.memory_space<vmem>>
    %dma_wait3A_411 = arith.constant 0 : i32
    %dma_wait3A_412 = tpu.memref_slice %arg9[%dma_wait3A_407, %dma_wait3A_411] : memref<4x128xi32, #tpu.memory_space<vmem>> -> memref<1x128xi32, #tpu.memory_space<vmem>>
    %dma_wait3A_413 = tpu.memref_squeeze %dma_wait3A_412 : memref<1x128xi32, #tpu.memory_space<vmem>> -> memref<128xi32, #tpu.memory_space<vmem>>
    %dma_wait3A_414 = arith.constant 0 : i32
    %dma_wait3A_415 = arith.constant 0 : i32
    %dma_wait3A_416 = tpu.memref_slice %arg2[%dma_wait3A_414, %dma_wait3A_415] : memref<1000000x64xf32, #tpu.memory_space<hbm>> -> memref<1000000x64xf32, #tpu.memory_space<hbm>>
    tpu.wait_indirect_dma semaphore(%arg18 : memref<!tpu.dma_semaphore, #tpu.memory_space<semaphore_mem>>) src(%dma_wait3A_416 : memref<1000000x64xf32, #tpu.memory_space<hbm>>) dst(%dma_wait3A_410 : memref<128x64xf32, #tpu.memory_space<vmem>>)
    %dma_wait3A_417 = arith.constant 1 : i32
    %dma_wait3A_418 = arith.constant 128 : i32
    %dma_wait3A_419 = arith.constant 0 : i32
    %dma_wait3A_420 = tpu.memref_slice %arg13[%dma_wait3A_418, %dma_wait3A_419] : memref<512x64xf32, #tpu.memory_space<vmem>> -> memref<128x64xf32, #tpu.memory_space<vmem>>
    %dma_wait3A_421 = arith.constant 0 : i32
    %dma_wait3A_422 = tpu.memref_slice %arg10[%dma_wait3A_417, %dma_wait3A_421] : memref<4x128xi32, #tpu.memory_space<vmem>> -> memref<1x128xi32, #tpu.memory_space<vmem>>
    %dma_wait3A_423 = tpu.memref_squeeze %dma_wait3A_422 : memref<1x128xi32, #tpu.memory_space<vmem>> -> memref<128xi32, #tpu.memory_space<vmem>>
    %dma_wait3A_424 = arith.constant 0 : i32
    %dma_wait3A_425 = arith.constant 0 : i32
    %dma_wait3A_426 = tpu.memref_slice %arg2[%dma_wait3A_424, %dma_wait3A_425] : memref<1000000x64xf32, #tpu.memory_space<hbm>> -> memref<1000000x64xf32, #tpu.memory_space<hbm>>
    tpu.wait_indirect_dma semaphore(%arg18 : memref<!tpu.dma_semaphore, #tpu.memory_space<semaphore_mem>>) src(%dma_wait3A_426 : memref<1000000x64xf32, #tpu.memory_space<hbm>>) dst(%dma_wait3A_420 : memref<128x64xf32, #tpu.memory_space<vmem>>)
    %dma_wait3A_427 = arith.constant 1 : i32
    %dma_wait3A_428 = arith.constant 128 : i32
    %dma_wait3A_429 = arith.constant 0 : i32
    %dma_wait3A_430 = tpu.memref_slice %arg14[%dma_wait3A_428, %dma_wait3A_429] : memref<512x64xf32, #tpu.memory_space<vmem>> -> memref<128x64xf32, #tpu.memory_space<vmem>>
    %dma_wait3A_431 = arith.constant 0 : i32
    %dma_wait3A_432 = tpu.memref_slice %arg11[%dma_wait3A_427, %dma_wait3A_431] : memref<4x128xi32, #tpu.memory_space<vmem>> -> memref<1x128xi32, #tpu.memory_space<vmem>>
    %dma_wait3A_433 = tpu.memref_squeeze %dma_wait3A_432 : memref<1x128xi32, #tpu.memory_space<vmem>> -> memref<128xi32, #tpu.memory_space<vmem>>
    %dma_wait3A_434 = arith.constant 0 : i32
    %dma_wait3A_435 = arith.constant 0 : i32
    %dma_wait3A_436 = tpu.memref_slice %arg3[%dma_wait3A_434, %dma_wait3A_435] : memref<1000x64xf32, #tpu.memory_space<hbm>> -> memref<1000x64xf32, #tpu.memory_space<hbm>>
    tpu.wait_indirect_dma semaphore(%arg18 : memref<!tpu.dma_semaphore, #tpu.memory_space<semaphore_mem>>) src(%dma_wait3A_436 : memref<1000x64xf32, #tpu.memory_space<hbm>>) dst(%dma_wait3A_430 : memref<128x64xf32, #tpu.memory_space<vmem>>)
    %dma_wait3A_437 = arith.constant 2 : i32
    %dma_wait3A_438 = arith.constant 256 : i32
    %dma_wait3A_439 = arith.constant 0 : i32
    %dma_wait3A_440 = tpu.memref_slice %arg12[%dma_wait3A_438, %dma_wait3A_439] : memref<512x64xf32, #tpu.memory_space<vmem>> -> memref<128x64xf32, #tpu.memory_space<vmem>>
    %dma_wait3A_441 = arith.constant 0 : i32
    %dma_wait3A_442 = tpu.memref_slice %arg9[%dma_wait3A_437, %dma_wait3A_441] : memref<4x128xi32, #tpu.memory_space<vmem>> -> memref<1x128xi32, #tpu.memory_space<vmem>>
    %dma_wait3A_443 = tpu.memref_squeeze %dma_wait3A_442 : memref<1x128xi32, #tpu.memory_space<vmem>> -> memref<128xi32, #tpu.memory_space<vmem>>
    %dma_wait3A_444 = arith.constant 0 : i32
    %dma_wait3A_445 = arith.constant 0 : i32
    %dma_wait3A_446 = tpu.memref_slice %arg2[%dma_wait3A_444, %dma_wait3A_445] : memref<1000000x64xf32, #tpu.memory_space<hbm>> -> memref<1000000x64xf32, #tpu.memory_space<hbm>>
    tpu.wait_indirect_dma semaphore(%arg18 : memref<!tpu.dma_semaphore, #tpu.memory_space<semaphore_mem>>) src(%dma_wait3A_446 : memref<1000000x64xf32, #tpu.memory_space<hbm>>) dst(%dma_wait3A_440 : memref<128x64xf32, #tpu.memory_space<vmem>>)
    %dma_wait3A_447 = arith.constant 2 : i32
    %dma_wait3A_448 = arith.constant 256 : i32
    %dma_wait3A_449 = arith.constant 0 : i32
    %dma_wait3A_450 = tpu.memref_slice %arg13[%dma_wait3A_448, %dma_wait3A_449] : memref<512x64xf32, #tpu.memory_space<vmem>> -> memref<128x64xf32, #tpu.memory_space<vmem>>
    %dma_wait3A_451 = arith.constant 0 : i32
    %dma_wait3A_452 = tpu.memref_slice %arg10[%dma_wait3A_447, %dma_wait3A_451] : memref<4x128xi32, #tpu.memory_space<vmem>> -> memref<1x128xi32, #tpu.memory_space<vmem>>
    %dma_wait3A_453 = tpu.memref_squeeze %dma_wait3A_452 : memref<1x128xi32, #tpu.memory_space<vmem>> -> memref<128xi32, #tpu.memory_space<vmem>>
    %dma_wait3A_454 = arith.constant 0 : i32
    %dma_wait3A_455 = arith.constant 0 : i32
    %dma_wait3A_456 = tpu.memref_slice %arg2[%dma_wait3A_454, %dma_wait3A_455] : memref<1000000x64xf32, #tpu.memory_space<hbm>> -> memref<1000000x64xf32, #tpu.memory_space<hbm>>
    tpu.wait_indirect_dma semaphore(%arg18 : memref<!tpu.dma_semaphore, #tpu.memory_space<semaphore_mem>>) src(%dma_wait3A_456 : memref<1000000x64xf32, #tpu.memory_space<hbm>>) dst(%dma_wait3A_450 : memref<128x64xf32, #tpu.memory_space<vmem>>)
    %dma_wait3A_457 = arith.constant 2 : i32
    %dma_wait3A_458 = arith.constant 256 : i32
    %dma_wait3A_459 = arith.constant 0 : i32
    %dma_wait3A_460 = tpu.memref_slice %arg14[%dma_wait3A_458, %dma_wait3A_459] : memref<512x64xf32, #tpu.memory_space<vmem>> -> memref<128x64xf32, #tpu.memory_space<vmem>>
    %dma_wait3A_461 = arith.constant 0 : i32
    %dma_wait3A_462 = tpu.memref_slice %arg11[%dma_wait3A_457, %dma_wait3A_461] : memref<4x128xi32, #tpu.memory_space<vmem>> -> memref<1x128xi32, #tpu.memory_space<vmem>>
    %dma_wait3A_463 = tpu.memref_squeeze %dma_wait3A_462 : memref<1x128xi32, #tpu.memory_space<vmem>> -> memref<128xi32, #tpu.memory_space<vmem>>
    %dma_wait3A_464 = arith.constant 0 : i32
    %dma_wait3A_465 = arith.constant 0 : i32
    %dma_wait3A_466 = tpu.memref_slice %arg3[%dma_wait3A_464, %dma_wait3A_465] : memref<1000x64xf32, #tpu.memory_space<hbm>> -> memref<1000x64xf32, #tpu.memory_space<hbm>>
    tpu.wait_indirect_dma semaphore(%arg18 : memref<!tpu.dma_semaphore, #tpu.memory_space<semaphore_mem>>) src(%dma_wait3A_466 : memref<1000x64xf32, #tpu.memory_space<hbm>>) dst(%dma_wait3A_460 : memref<128x64xf32, #tpu.memory_space<vmem>>)
    %dma_wait3A_467 = arith.constant 3 : i32
    %dma_wait3A_468 = arith.constant 384 : i32
    %dma_wait3A_469 = arith.constant 0 : i32
    %dma_wait3A_470 = tpu.memref_slice %arg12[%dma_wait3A_468, %dma_wait3A_469] : memref<512x64xf32, #tpu.memory_space<vmem>> -> memref<128x64xf32, #tpu.memory_space<vmem>>
    %dma_wait3A_471 = arith.constant 0 : i32
    %dma_wait3A_472 = tpu.memref_slice %arg9[%dma_wait3A_467, %dma_wait3A_471] : memref<4x128xi32, #tpu.memory_space<vmem>> -> memref<1x128xi32, #tpu.memory_space<vmem>>
    %dma_wait3A_473 = tpu.memref_squeeze %dma_wait3A_472 : memref<1x128xi32, #tpu.memory_space<vmem>> -> memref<128xi32, #tpu.memory_space<vmem>>
    %dma_wait3A_474 = arith.constant 0 : i32
    %dma_wait3A_475 = arith.constant 0 : i32
    %dma_wait3A_476 = tpu.memref_slice %arg2[%dma_wait3A_474, %dma_wait3A_475] : memref<1000000x64xf32, #tpu.memory_space<hbm>> -> memref<1000000x64xf32, #tpu.memory_space<hbm>>
    tpu.wait_indirect_dma semaphore(%arg18 : memref<!tpu.dma_semaphore, #tpu.memory_space<semaphore_mem>>) src(%dma_wait3A_476 : memref<1000000x64xf32, #tpu.memory_space<hbm>>) dst(%dma_wait3A_470 : memref<128x64xf32, #tpu.memory_space<vmem>>)
    %dma_wait3A_477 = arith.constant 3 : i32
    %dma_wait3A_478 = arith.constant 384 : i32
    %dma_wait3A_479 = arith.constant 0 : i32
    %dma_wait3A_480 = tpu.memref_slice %arg13[%dma_wait3A_478, %dma_wait3A_479] : memref<512x64xf32, #tpu.memory_space<vmem>> -> memref<128x64xf32, #tpu.memory_space<vmem>>
    %dma_wait3A_481 = arith.constant 0 : i32
    %dma_wait3A_482 = tpu.memref_slice %arg10[%dma_wait3A_477, %dma_wait3A_481] : memref<4x128xi32, #tpu.memory_space<vmem>> -> memref<1x128xi32, #tpu.memory_space<vmem>>
    %dma_wait3A_483 = tpu.memref_squeeze %dma_wait3A_482 : memref<1x128xi32, #tpu.memory_space<vmem>> -> memref<128xi32, #tpu.memory_space<vmem>>
    %dma_wait3A_484 = arith.constant 0 : i32
    %dma_wait3A_485 = arith.constant 0 : i32
    %dma_wait3A_486 = tpu.memref_slice %arg2[%dma_wait3A_484, %dma_wait3A_485] : memref<1000000x64xf32, #tpu.memory_space<hbm>> -> memref<1000000x64xf32, #tpu.memory_space<hbm>>
    tpu.wait_indirect_dma semaphore(%arg18 : memref<!tpu.dma_semaphore, #tpu.memory_space<semaphore_mem>>) src(%dma_wait3A_486 : memref<1000000x64xf32, #tpu.memory_space<hbm>>) dst(%dma_wait3A_480 : memref<128x64xf32, #tpu.memory_space<vmem>>)
    %dma_wait3A_487 = arith.constant 3 : i32
    %dma_wait3A_488 = arith.constant 384 : i32
    %dma_wait3A_489 = arith.constant 0 : i32
    %dma_wait3A_490 = tpu.memref_slice %arg14[%dma_wait3A_488, %dma_wait3A_489] : memref<512x64xf32, #tpu.memory_space<vmem>> -> memref<128x64xf32, #tpu.memory_space<vmem>>
    %dma_wait3A_491 = arith.constant 0 : i32
    %dma_wait3A_492 = tpu.memref_slice %arg11[%dma_wait3A_487, %dma_wait3A_491] : memref<4x128xi32, #tpu.memory_space<vmem>> -> memref<1x128xi32, #tpu.memory_space<vmem>>
    %dma_wait3A_493 = tpu.memref_squeeze %dma_wait3A_492 : memref<1x128xi32, #tpu.memory_space<vmem>> -> memref<128xi32, #tpu.memory_space<vmem>>
    %dma_wait3A_494 = arith.constant 0 : i32
    %dma_wait3A_495 = arith.constant 0 : i32
    %dma_wait3A_496 = tpu.memref_slice %arg3[%dma_wait3A_494, %dma_wait3A_495] : memref<1000x64xf32, #tpu.memory_space<hbm>> -> memref<1000x64xf32, #tpu.memory_space<hbm>>
    tpu.wait_indirect_dma semaphore(%arg18 : memref<!tpu.dma_semaphore, #tpu.memory_space<semaphore_mem>>) src(%dma_wait3A_496 : memref<1000x64xf32, #tpu.memory_space<hbm>>) dst(%dma_wait3A_490 : memref<128x64xf32, #tpu.memory_space<vmem>>)
    %scan3A_497 = arith.constant 0 : i32
    %scan3A_498 = arith.constant 32 : i32
    %scan3A_499 = arith.addi %scan3A_497, %scan3A_498 : i32
    %scan3A_500 = arith.constant 1 : i32
    %scan3A_501 = scf.for %scan3A_508 = %scan3A_497 to %scan3A_499 step %scan3A_500 iter_args(%scan3A_509 = %scan3A_247) -> (vector<16xf32>)  : i32 {
      %scan3A_510 = arith.constant 0 : i32
      %scan3A_511 = arith.constant 16 : i32
      %scan3A_512 = arith.addi %scan3A_510, %scan3A_511 : i32
      %scan3A_513 = arith.constant 1 : i32
      %scan3A_514 = scf.for %scan3A_649 = %scan3A_510 to %scan3A_512 step %scan3A_513 iter_args(%scan3A_650 = %scan3A_509) -> (vector<16xf32>)  : i32 {
        %mul3A_651 = arith.constant 16 : i32
        %mul3A_652 = arith.muli %scan3A_508, %mul3A_651 : i32
        %add3A_653 = arith.addi %mul3A_652, %scan3A_649 : i32
        %broadcast_in_dim3A_654 = arith.constant 0.000000e+00 : f32
        %broadcast_in_dim3A_655 = vector.broadcast %broadcast_in_dim3A_654 : f32 to vector<16xf32>
        %get3A = arith.constant 0 : i32
        %get3A_656 = tpu.memref_slice %arg12[%add3A_653, %get3A] : memref<512x64xf32, #tpu.memory_space<vmem>> -> memref<1x64xf32, #tpu.memory_space<vmem>>
        %get3A_657 = tpu.memref_squeeze %get3A_656 : memref<1x64xf32, #tpu.memory_space<vmem>> -> memref<64xf32, #tpu.memory_space<vmem>>
        %get3A_658 = arith.constant 0 : index
        %get3A_659 = tpu.vector_load %get3A_657[%get3A_658] {strides = array<i32>} : memref<64xf32, #tpu.memory_space<vmem>>, vector<16xf32>,
        %get3A_660 = arith.constant 0 : i32
        %get3A_661 = tpu.memref_slice %arg13[%add3A_653, %get3A_660] : memref<512x64xf32, #tpu.memory_space<vmem>> -> memref<1x64xf32, #tpu.memory_space<vmem>>
        %get3A_662 = tpu.memref_squeeze %get3A_661 : memref<1x64xf32, #tpu.memory_space<vmem>> -> memref<64xf32, #tpu.memory_space<vmem>>
        %get3A_663 = arith.constant 0 : index
        %get3A_664 = tpu.vector_load %get3A_662[%get3A_663] {strides = array<i32>} : memref<64xf32, #tpu.memory_space<vmem>>, vector<16xf32>,
        %get3A_665 = arith.constant 0 : i32
        %get3A_666 = tpu.memref_slice %arg14[%add3A_653, %get3A_665] : memref<512x64xf32, #tpu.memory_space<vmem>> -> memref<1x64xf32, #tpu.memory_space<vmem>>
        %get3A_667 = tpu.memref_squeeze %get3A_666 : memref<1x64xf32, #tpu.memory_space<vmem>> -> memref<64xf32, #tpu.memory_space<vmem>>
        %get3A_668 = arith.constant 0 : index
        %get3A_669 = tpu.vector_load %get3A_667[%get3A_668] {strides = array<i32>} : memref<64xf32, #tpu.memory_space<vmem>>, vector<16xf32>,
        %mul3A_670 = arith.mulf %get3A_659, %get3A_664 : vector<16xf32>
        %mul3A_671 = arith.mulf %mul3A_670, %get3A_669 : vector<16xf32>
        %add3A_672 = arith.addf %broadcast_in_dim3A_655, %mul3A_671 : vector<16xf32>
        %mul3A_673 = arith.mulf %get3A_659, %get3A_659 : vector<16xf32>
        %add3A_674 = arith.addf %scan3A_650, %mul3A_673 : vector<16xf32>
        %mul3A_675 = arith.mulf %get3A_664, %get3A_664 : vector<16xf32>
        %add3A_676 = arith.addf %add3A_674, %mul3A_675 : vector<16xf32>
        %mul3A_677 = arith.mulf %get3A_669, %get3A_669 : vector<16xf32>
        %add3A_678 = arith.addf %add3A_676, %mul3A_677 : vector<16xf32>
        %get3A_679 = arith.constant 0 : i32
        %get3A_680 = tpu.memref_slice %arg12[%add3A_653, %get3A_679] : memref<512x64xf32, #tpu.memory_space<vmem>> -> memref<1x64xf32, #tpu.memory_space<vmem>>
        %get3A_681 = tpu.memref_squeeze %get3A_680 : memref<1x64xf32, #tpu.memory_space<vmem>> -> memref<64xf32, #tpu.memory_space<vmem>>
        %get3A_682 = arith.constant 16 : index
        %get3A_683 = tpu.vector_load %get3A_681[%get3A_682] {strides = array<i32>} : memref<64xf32, #tpu.memory_space<vmem>>, vector<16xf32>,
        %get3A_684 = arith.constant 0 : i32
        %get3A_685 = tpu.memref_slice %arg13[%add3A_653, %get3A_684] : memref<512x64xf32, #tpu.memory_space<vmem>> -> memref<1x64xf32, #tpu.memory_space<vmem>>
        %get3A_686 = tpu.memref_squeeze %get3A_685 : memref<1x64xf32, #tpu.memory_space<vmem>> -> memref<64xf32, #tpu.memory_space<vmem>>
        %get3A_687 = arith.constant 16 : index
        %get3A_688 = tpu.vector_load %get3A_686[%get3A_687] {strides = array<i32>} : memref<64xf32, #tpu.memory_space<vmem>>, vector<16xf32>,
        %get3A_689 = arith.constant 0 : i32
        %get3A_690 = tpu.memref_slice %arg14[%add3A_653, %get3A_689] : memref<512x64xf32, #tpu.memory_space<vmem>> -> memref<1x64xf32, #tpu.memory_space<vmem>>
        %get3A_691 = tpu.memref_squeeze %get3A_690 : memref<1x64xf32, #tpu.memory_space<vmem>> -> memref<64xf32, #tpu.memory_space<vmem>>
        %get3A_692 = arith.constant 16 : index
        %get3A_693 = tpu.vector_load %get3A_691[%get3A_692] {strides = array<i32>} : memref<64xf32, #tpu.memory_space<vmem>>, vector<16xf32>,
        %mul3A_694 = arith.mulf %get3A_683, %get3A_688 : vector<16xf32>
        %mul3A_695 = arith.mulf %mul3A_694, %get3A_693 : vector<16xf32>
        %add3A_696 = arith.addf %add3A_672, %mul3A_695 : vector<16xf32>
        %mul3A_697 = arith.mulf %get3A_683, %get3A_683 : vector<16xf32>
        %add3A_698 = arith.addf %add3A_678, %mul3A_697 : vector<16xf32>
        %mul3A_699 = arith.mulf %get3A_688, %get3A_688 : vector<16xf32>
        %add3A_700 = arith.addf %add3A_698, %mul3A_699 : vector<16xf32>
        %mul3A_701 = arith.mulf %get3A_693, %get3A_693 : vector<16xf32>
        %add3A_702 = arith.addf %add3A_700, %mul3A_701 : vector<16xf32>
        %get3A_703 = arith.constant 0 : i32
        %get3A_704 = tpu.memref_slice %arg12[%add3A_653, %get3A_703] : memref<512x64xf32, #tpu.memory_space<vmem>> -> memref<1x64xf32, #tpu.memory_space<vmem>>
        %get3A_705 = tpu.memref_squeeze %get3A_704 : memref<1x64xf32, #tpu.memory_space<vmem>> -> memref<64xf32, #tpu.memory_space<vmem>>
        %get3A_706 = arith.constant 32 : index
        %get3A_707 = tpu.vector_load %get3A_705[%get3A_706] {strides = array<i32>} : memref<64xf32, #tpu.memory_space<vmem>>, vector<16xf32>,
        %get3A_708 = arith.constant 0 : i32
        %get3A_709 = tpu.memref_slice %arg13[%add3A_653, %get3A_708] : memref<512x64xf32, #tpu.memory_space<vmem>> -> memref<1x64xf32, #tpu.memory_space<vmem>>
        %get3A_710 = tpu.memref_squeeze %get3A_709 : memref<1x64xf32, #tpu.memory_space<vmem>> -> memref<64xf32, #tpu.memory_space<vmem>>
        %get3A_711 = arith.constant 32 : index
        %get3A_712 = tpu.vector_load %get3A_710[%get3A_711] {strides = array<i32>} : memref<64xf32, #tpu.memory_space<vmem>>, vector<16xf32>,
        %get3A_713 = arith.constant 0 : i32
        %get3A_714 = tpu.memref_slice %arg14[%add3A_653, %get3A_713] : memref<512x64xf32, #tpu.memory_space<vmem>> -> memref<1x64xf32, #tpu.memory_space<vmem>>
        %get3A_715 = tpu.memref_squeeze %get3A_714 : memref<1x64xf32, #tpu.memory_space<vmem>> -> memref<64xf32, #tpu.memory_space<vmem>>
        %get3A_716 = arith.constant 32 : index
        %get3A_717 = tpu.vector_load %get3A_715[%get3A_716] {strides = array<i32>} : memref<64xf32, #tpu.memory_space<vmem>>, vector<16xf32>,
        %mul3A_718 = arith.mulf %get3A_707, %get3A_712 : vector<16xf32>
        %mul3A_719 = arith.mulf %mul3A_718, %get3A_717 : vector<16xf32>
        %add3A_720 = arith.addf %add3A_696, %mul3A_719 : vector<16xf32>
        %mul3A_721 = arith.mulf %get3A_707, %get3A_707 : vector<16xf32>
        %add3A_722 = arith.addf %add3A_702, %mul3A_721 : vector<16xf32>
        %mul3A_723 = arith.mulf %get3A_712, %get3A_712 : vector<16xf32>
        %add3A_724 = arith.addf %add3A_722, %mul3A_723 : vector<16xf32>
        %mul3A_725 = arith.mulf %get3A_717, %get3A_717 : vector<16xf32>
        %add3A_726 = arith.addf %add3A_724, %mul3A_725 : vector<16xf32>
        %get3A_727 = arith.constant 0 : i32
        %get3A_728 = tpu.memref_slice %arg12[%add3A_653, %get3A_727] : memref<512x64xf32, #tpu.memory_space<vmem>> -> memref<1x64xf32, #tpu.memory_space<vmem>>
        %get3A_729 = tpu.memref_squeeze %get3A_728 : memref<1x64xf32, #tpu.memory_space<vmem>> -> memref<64xf32, #tpu.memory_space<vmem>>
        %get3A_730 = arith.constant 48 : index
        %get3A_731 = tpu.vector_load %get3A_729[%get3A_730] {strides = array<i32>} : memref<64xf32, #tpu.memory_space<vmem>>, vector<16xf32>,
        %get3A_732 = arith.constant 0 : i32
        %get3A_733 = tpu.memref_slice %arg13[%add3A_653, %get3A_732] : memref<512x64xf32, #tpu.memory_space<vmem>> -> memref<1x64xf32, #tpu.memory_space<vmem>>
        %get3A_734 = tpu.memref_squeeze %get3A_733 : memref<1x64xf32, #tpu.memory_space<vmem>> -> memref<64xf32, #tpu.memory_space<vmem>>
        %get3A_735 = arith.constant 48 : index
        %get3A_736 = tpu.vector_load %get3A_734[%get3A_735] {strides = array<i32>} : memref<64xf32, #tpu.memory_space<vmem>>, vector<16xf32>,
        %get3A_737 = arith.constant 0 : i32
        %get3A_738 = tpu.memref_slice %arg14[%add3A_653, %get3A_737] : memref<512x64xf32, #tpu.memory_space<vmem>> -> memref<1x64xf32, #tpu.memory_space<vmem>>
        %get3A_739 = tpu.memref_squeeze %get3A_738 : memref<1x64xf32, #tpu.memory_space<vmem>> -> memref<64xf32, #tpu.memory_space<vmem>>
        %get3A_740 = arith.constant 48 : index
        %get3A_741 = tpu.vector_load %get3A_739[%get3A_740] {strides = array<i32>} : memref<64xf32, #tpu.memory_space<vmem>>, vector<16xf32>,
        %mul3A_742 = arith.mulf %get3A_731, %get3A_736 : vector<16xf32>
        %mul3A_743 = arith.mulf %mul3A_742, %get3A_741 : vector<16xf32>
        %add3A_744 = arith.addf %add3A_720, %mul3A_743 : vector<16xf32>
        %mul3A_745 = arith.mulf %get3A_731, %get3A_731 : vector<16xf32>
        %add3A_746 = arith.addf %add3A_726, %mul3A_745 : vector<16xf32>
        %mul3A_747 = arith.mulf %get3A_736, %get3A_736 : vector<16xf32>
        %add3A_748 = arith.addf %add3A_746, %mul3A_747 : vector<16xf32>
        %mul3A_749 = arith.mulf %get3A_741, %get3A_741 : vector<16xf32>
        %add3A_750 = arith.addf %add3A_748, %mul3A_749 : vector<16xf32>
        %mul3A_751 = arith.constant 16 : i32
        %mul3A_752 = arith.muli %scan3A_649, %mul3A_751 : i32
        %swap3A_753 = arith.index_cast %mul3A_752 : i32 to index
        %swap3A_754 = tpu.vector_load %arg16[%swap3A_753] {strides = array<i32>} : memref<256xf32, #tpu.memory_space<vmem>>, vector<16xf32>,
        tpu.vector_store %arg16[%swap3A_753], %add3A_744 {strides = array<i32>} : memref<256xf32, #tpu.memory_space<vmem>>, vector<16xf32>,
        scf.yield %add3A_750 : vector<16xf32>
      }
      %scan3A_515 = arith.constant 16 : i32
      %broadcast_in_dim3A_516 = arith.constant 0.000000e+00 : f32
      %broadcast_in_dim3A_517 = vector.broadcast %broadcast_in_dim3A_516 : f32 to vector<16xf32>
      %mul3A_518 = arith.constant 16 : i32
      %mul3A_519 = vector.broadcast %mul3A_518 : i32 to vector<16xi32>
      %mul3A_520 = arith.muli %iota3A, %mul3A_519 : vector<16xi32>
      %add3A_521 = arith.constant 0 : i32
      %add3A_522 = vector.broadcast %add3A_521 : i32 to vector<16xi32>
      %add3A_523 = arith.addi %mul3A_520, %add3A_522 : vector<16xi32>
      %gather3A = tpu.vector_load_idx %arg16[%add3A_523] : memref<256xf32, #tpu.memory_space<vmem>>[vector<16xi32>], vector<16xf32>,
      %add3A_524 = arith.addf %broadcast_in_dim3A_517, %gather3A : vector<16xf32>
      %mul3A_525 = arith.constant 16 : i32
      %mul3A_526 = vector.broadcast %mul3A_525 : i32 to vector<16xi32>
      %mul3A_527 = arith.muli %iota3A, %mul3A_526 : vector<16xi32>
      %add3A_528 = arith.constant 1 : i32
      %add3A_529 = vector.broadcast %add3A_528 : i32 to vector<16xi32>
      %add3A_530 = arith.addi %mul3A_527, %add3A_529 : vector<16xi32>
      %gather3A_531 = tpu.vector_load_idx %arg16[%add3A_530] : memref<256xf32, #tpu.memory_space<vmem>>[vector<16xi32>], vector<16xf32>,
      %add3A_532 = arith.addf %add3A_524, %gather3A_531 : vector<16xf32>
      %mul3A_533 = arith.constant 16 : i32
      %mul3A_534 = vector.broadcast %mul3A_533 : i32 to vector<16xi32>
      %mul3A_535 = arith.muli %iota3A, %mul3A_534 : vector<16xi32>
      %add3A_536 = arith.constant 2 : i32
      %add3A_537 = vector.broadcast %add3A_536 : i32 to vector<16xi32>
      %add3A_538 = arith.addi %mul3A_535, %add3A_537 : vector<16xi32>
      %gather3A_539 = tpu.vector_load_idx %arg16[%add3A_538] : memref<256xf32, #tpu.memory_space<vmem>>[vector<16xi32>], vector<16xf32>,
      %add3A_540 = arith.addf %add3A_532, %gather3A_539 : vector<16xf32>
      %mul3A_541 = arith.constant 16 : i32
      %mul3A_542 = vector.broadcast %mul3A_541 : i32 to vector<16xi32>
      %mul3A_543 = arith.muli %iota3A, %mul3A_542 : vector<16xi32>
      %add3A_544 = arith.constant 3 : i32
      %add3A_545 = vector.broadcast %add3A_544 : i32 to vector<16xi32>
      %add3A_546 = arith.addi %mul3A_543, %add3A_545 : vector<16xi32>
      %gather3A_547 = tpu.vector_load_idx %arg16[%add3A_546] : memref<256xf32, #tpu.memory_space<vmem>>[vector<16xi32>], vector<16xf32>,
      %add3A_548 = arith.addf %add3A_540, %gather3A_547 : vector<16xf32>
      %mul3A_549 = arith.constant 16 : i32
      %mul3A_550 = vector.broadcast %mul3A_549 : i32 to vector<16xi32>
      %mul3A_551 = arith.muli %iota3A, %mul3A_550 : vector<16xi32>
      %add3A_552 = arith.constant 4 : i32
      %add3A_553 = vector.broadcast %add3A_552 : i32 to vector<16xi32>
      %add3A_554 = arith.addi %mul3A_551, %add3A_553 : vector<16xi32>
      %gather3A_555 = tpu.vector_load_idx %arg16[%add3A_554] : memref<256xf32, #tpu.memory_space<vmem>>[vector<16xi32>], vector<16xf32>,
      %add3A_556 = arith.addf %add3A_548, %gather3A_555 : vector<16xf32>
      %mul3A_557 = arith.constant 16 : i32
      %mul3A_558 = vector.broadcast %mul3A_557 : i32 to vector<16xi32>
      %mul3A_559 = arith.muli %iota3A, %mul3A_558 : vector<16xi32>
      %add3A_560 = arith.constant 5 : i32
      %add3A_561 = vector.broadcast %add3A_560 : i32 to vector<16xi32>
      %add3A_562 = arith.addi %mul3A_559, %add3A_561 : vector<16xi32>
      %gather3A_563 = tpu.vector_load_idx %arg16[%add3A_562] : memref<256xf32, #tpu.memory_space<vmem>>[vector<16xi32>], vector<16xf32>,
      %add3A_564 = arith.addf %add3A_556, %gather3A_563 : vector<16xf32>
      %mul3A_565 = arith.constant 16 : i32
      %mul3A_566 = vector.broadcast %mul3A_565 : i32 to vector<16xi32>
      %mul3A_567 = arith.muli %iota3A, %mul3A_566 : vector<16xi32>
      %add3A_568 = arith.constant 6 : i32
      %add3A_569 = vector.broadcast %add3A_568 : i32 to vector<16xi32>
      %add3A_570 = arith.addi %mul3A_567, %add3A_569 : vector<16xi32>
      %gather3A_571 = tpu.vector_load_idx %arg16[%add3A_570] : memref<256xf32, #tpu.memory_space<vmem>>[vector<16xi32>], vector<16xf32>,
      %add3A_572 = arith.addf %add3A_564, %gather3A_571 : vector<16xf32>
      %mul3A_573 = arith.constant 16 : i32
      %mul3A_574 = vector.broadcast %mul3A_573 : i32 to vector<16xi32>
      %mul3A_575 = arith.muli %iota3A, %mul3A_574 : vector<16xi32>
      %add3A_576 = arith.constant 7 : i32
      %add3A_577 = vector.broadcast %add3A_576 : i32 to vector<16xi32>
      %add3A_578 = arith.addi %mul3A_575, %add3A_577 : vector<16xi32>
      %gather3A_579 = tpu.vector_load_idx %arg16[%add3A_578] : memref<256xf32, #tpu.memory_space<vmem>>[vector<16xi32>], vector<16xf32>,
      %add3A_580 = arith.addf %add3A_572, %gather3A_579 : vector<16xf32>
      %mul3A_581 = arith.constant 16 : i32
      %mul3A_582 = vector.broadcast %mul3A_581 : i32 to vector<16xi32>
      %mul3A_583 = arith.muli %iota3A, %mul3A_582 : vector<16xi32>
      %add3A_584 = arith.constant 8 : i32
      %add3A_585 = vector.broadcast %add3A_584 : i32 to vector<16xi32>
      %add3A_586 = arith.addi %mul3A_583, %add3A_585 : vector<16xi32>
      %gather3A_587 = tpu.vector_load_idx %arg16[%add3A_586] : memref<256xf32, #tpu.memory_space<vmem>>[vector<16xi32>], vector<16xf32>,
      %add3A_588 = arith.addf %add3A_580, %gather3A_587 : vector<16xf32>
      %mul3A_589 = arith.constant 16 : i32
      %mul3A_590 = vector.broadcast %mul3A_589 : i32 to vector<16xi32>
      %mul3A_591 = arith.muli %iota3A, %mul3A_590 : vector<16xi32>
      %add3A_592 = arith.constant 9 : i32
      %add3A_593 = vector.broadcast %add3A_592 : i32 to vector<16xi32>
      %add3A_594 = arith.addi %mul3A_591, %add3A_593 : vector<16xi32>
      %gather3A_595 = tpu.vector_load_idx %arg16[%add3A_594] : memref<256xf32, #tpu.memory_space<vmem>>[vector<16xi32>], vector<16xf32>,
      %add3A_596 = arith.addf %add3A_588, %gather3A_595 : vector<16xf32>
      %mul3A_597 = arith.constant 16 : i32
      %mul3A_598 = vector.broadcast %mul3A_597 : i32 to vector<16xi32>
      %mul3A_599 = arith.muli %iota3A, %mul3A_598 : vector<16xi32>
      %add3A_600 = arith.constant 10 : i32
      %add3A_601 = vector.broadcast %add3A_600 : i32 to vector<16xi32>
      %add3A_602 = arith.addi %mul3A_599, %add3A_601 : vector<16xi32>
      %gather3A_603 = tpu.vector_load_idx %arg16[%add3A_602] : memref<256xf32, #tpu.memory_space<vmem>>[vector<16xi32>], vector<16xf32>,
      %add3A_604 = arith.addf %add3A_596, %gather3A_603 : vector<16xf32>
      %mul3A_605 = arith.constant 16 : i32
      %mul3A_606 = vector.broadcast %mul3A_605 : i32 to vector<16xi32>
      %mul3A_607 = arith.muli %iota3A, %mul3A_606 : vector<16xi32>
      %add3A_608 = arith.constant 11 : i32
      %add3A_609 = vector.broadcast %add3A_608 : i32 to vector<16xi32>
      %add3A_610 = arith.addi %mul3A_607, %add3A_609 : vector<16xi32>
      %gather3A_611 = tpu.vector_load_idx %arg16[%add3A_610] : memref<256xf32, #tpu.memory_space<vmem>>[vector<16xi32>], vector<16xf32>,
      %add3A_612 = arith.addf %add3A_604, %gather3A_611 : vector<16xf32>
      %mul3A_613 = arith.constant 16 : i32
      %mul3A_614 = vector.broadcast %mul3A_613 : i32 to vector<16xi32>
      %mul3A_615 = arith.muli %iota3A, %mul3A_614 : vector<16xi32>
      %add3A_616 = arith.constant 12 : i32
      %add3A_617 = vector.broadcast %add3A_616 : i32 to vector<16xi32>
      %add3A_618 = arith.addi %mul3A_615, %add3A_617 : vector<16xi32>
      %gather3A_619 = tpu.vector_load_idx %arg16[%add3A_618] : memref<256xf32, #tpu.memory_space<vmem>>[vector<16xi32>], vector<16xf32>,
      %add3A_620 = arith.addf %add3A_612, %gather3A_619 : vector<16xf32>
      %mul3A_621 = arith.constant 16 : i32
      %mul3A_622 = vector.broadcast %mul3A_621 : i32 to vector<16xi32>
      %mul3A_623 = arith.muli %iota3A, %mul3A_622 : vector<16xi32>
      %add3A_624 = arith.constant 13 : i32
      %add3A_625 = vector.broadcast %add3A_624 : i32 to vector<16xi32>
      %add3A_626 = arith.addi %mul3A_623, %add3A_625 : vector<16xi32>
      %gather3A_627 = tpu.vector_load_idx %arg16[%add3A_626] : memref<256xf32, #tpu.memory_space<vmem>>[vector<16xi32>], vector<16xf32>,
      %add3A_628 = arith.addf %add3A_620, %gather3A_627 : vector<16xf32>
      %mul3A_629 = arith.constant 16 : i32
      %mul3A_630 = vector.broadcast %mul3A_629 : i32 to vector<16xi32>
      %mul3A_631 = arith.muli %iota3A, %mul3A_630 : vector<16xi32>
      %add3A_632 = arith.constant 14 : i32
      %add3A_633 = vector.broadcast %add3A_632 : i32 to vector<16xi32>
      %add3A_634 = arith.addi %mul3A_631, %add3A_633 : vector<16xi32>
      %gather3A_635 = tpu.vector_load_idx %arg16[%add3A_634] : memref<256xf32, #tpu.memory_space<vmem>>[vector<16xi32>], vector<16xf32>,
      %add3A_636 = arith.addf %add3A_628, %gather3A_635 : vector<16xf32>
      %mul3A_637 = arith.constant 16 : i32
      %mul3A_638 = vector.broadcast %mul3A_637 : i32 to vector<16xi32>
      %mul3A_639 = arith.muli %iota3A, %mul3A_638 : vector<16xi32>
      %add3A_640 = arith.constant 15 : i32
      %add3A_641 = vector.broadcast %add3A_640 : i32 to vector<16xi32>
      %add3A_642 = arith.addi %mul3A_639, %add3A_641 : vector<16xi32>
      %gather3A_643 = tpu.vector_load_idx %arg16[%add3A_642] : memref<256xf32, #tpu.memory_space<vmem>>[vector<16xi32>], vector<16xf32>,
      %add3A_644 = arith.addf %add3A_636, %gather3A_643 : vector<16xf32>
      %mul3A_645 = arith.constant 16 : i32
      %mul3A_646 = arith.muli %scan3A_508, %mul3A_645 : i32
      %swap3A_647 = arith.index_cast %mul3A_646 : i32 to index
      %swap3A_648 = tpu.vector_load %arg15[%swap3A_647] {strides = array<i32>} : memref<512xf32, #tpu.memory_space<vmem>>, vector<16xf32>,
      tpu.vector_store %arg15[%swap3A_647], %add3A_644 {strides = array<i32>} : memref<512xf32, #tpu.memory_space<vmem>>, vector<16xf32>,
      scf.yield %scan3A_514 : vector<16xf32>
    }
    %scan3A_502 = arith.constant 32 : i32
    %mul3A_503 = arith.constant 1024 : i32
    %mul3A_504 = arith.muli %add3A, %mul3A_503 : i32
    %add3A_505 = arith.constant 512 : i32
    %add3A_506 = arith.addi %mul3A_504, %add3A_505 : i32
    "tpu.region"() ({
      %run_scoped3A = tpu.sem_alloc : memref<!tpu.dma_semaphore, #tpu.memory_space<semaphore_mem>>
      %dma_start3A_508 = tpu.memref_slice %arg7[%add3A_506] : memref<32768xf32, #tpu.memory_space<hbm>> -> memref<512xf32, #tpu.memory_space<hbm>>
      %dma_start3A_509 = tpu.memref_slice %arg7[%add3A_506] : memref<32768xf32, #tpu.memory_space<hbm>> -> memref<512xf32, #tpu.memory_space<hbm>>
      tpu.enqueue_dma source(%arg15 : memref<512xf32, #tpu.memory_space<vmem>>) target(%dma_start3A_509 : memref<512xf32, #tpu.memory_space<hbm>>) target_semaphore(%run_scoped3A : memref<!tpu.dma_semaphore, #tpu.memory_space<semaphore_mem>>)
      %dma_wait3A_510 = tpu.memref_slice %arg7[%add3A_506] : memref<32768xf32, #tpu.memory_space<hbm>> -> memref<512xf32, #tpu.memory_space<hbm>>
      %dma_wait3A_511 = tpu.memref_slice %arg7[%add3A_506] : memref<32768xf32, #tpu.memory_space<hbm>> -> memref<512xf32, #tpu.memory_space<hbm>>
      tpu.wait_dma2 semaphore(%run_scoped3A : memref<!tpu.dma_semaphore, #tpu.memory_space<semaphore_mem>>) src(%arg15 : memref<512xf32, #tpu.memory_space<vmem>>) dst(%dma_wait3A_511 : memref<512xf32, #tpu.memory_space<hbm>>)
      tpu.yield
    }) : () -> ()
    %swap3A = arith.constant 0 : index
    %swap3A_507 = tpu.vector_load %arg17[%swap3A] {strides = array<i32>} : memref<16xf32, #tpu.memory_space<vmem>>, vector<16xf32>,
    tpu.vector_store %arg17[%swap3A], %scan3A_501 {strides = array<i32>} : memref<16xf32, #tpu.memory_space<vmem>>, vector<16xf32>,
    "tpu.region"() ({
      %run_scoped3A = tpu.sem_alloc : memref<!tpu.dma_semaphore, #tpu.memory_space<semaphore_mem>>
      %dma_start3A_508 = arith.constant 0 : i32
      %dma_start3A_509 = tpu.memref_slice %arg8[%add3A, %dma_start3A_508] : memref<32x16xf32, #tpu.memory_space<hbm>> -> memref<1x16xf32, #tpu.memory_space<hbm>>
      %dma_start3A_510 = tpu.memref_squeeze %dma_start3A_509 : memref<1x16xf32, #tpu.memory_space<hbm>> -> memref<16xf32, #tpu.memory_space<hbm>>
      %dma_start3A_511 = arith.constant 0 : i32
      %dma_start3A_512 = tpu.memref_slice %arg8[%add3A, %dma_start3A_511] : memref<32x16xf32, #tpu.memory_space<hbm>> -> memref<1x16xf32, #tpu.memory_space<hbm>>
      %dma_start3A_513 = tpu.memref_squeeze %dma_start3A_512 : memref<1x16xf32, #tpu.memory_space<hbm>> -> memref<16xf32, #tpu.memory_space<hbm>>
      tpu.enqueue_dma source(%arg17 : memref<16xf32, #tpu.memory_space<vmem>>) target(%dma_start3A_513 : memref<16xf32, #tpu.memory_space<hbm>>) target_semaphore(%run_scoped3A : memref<!tpu.dma_semaphore, #tpu.memory_space<semaphore_mem>>)
      %dma_wait3A_514 = arith.constant 0 : i32
      %dma_wait3A_515 = tpu.memref_slice %arg8[%add3A, %dma_wait3A_514] : memref<32x16xf32, #tpu.memory_space<hbm>> -> memref<1x16xf32, #tpu.memory_space<hbm>>
      %dma_wait3A_516 = tpu.memref_squeeze %dma_wait3A_515 : memref<1x16xf32, #tpu.memory_space<hbm>> -> memref<16xf32, #tpu.memory_space<hbm>>
      %dma_wait3A_517 = arith.constant 0 : i32
      %dma_wait3A_518 = tpu.memref_slice %arg8[%add3A, %dma_wait3A_517] : memref<32x16xf32, #tpu.memory_space<hbm>> -> memref<1x16xf32, #tpu.memory_space<hbm>>
      %dma_wait3A_519 = tpu.memref_squeeze %dma_wait3A_518 : memref<1x16xf32, #tpu.memory_space<hbm>> -> memref<16xf32, #tpu.memory_space<hbm>>
      tpu.wait_dma2 semaphore(%run_scoped3A : memref<!tpu.dma_semaphore, #tpu.memory_space<semaphore_mem>>) src(%arg17 : memref<16xf32, #tpu.memory_space<vmem>>) dst(%dma_wait3A_519 : memref<16xf32, #tpu.memory_space<hbm>>)
      tpu.yield
    }) : () -> ()
    return
  }
}

module attributes {stable_mosaic.version = 14 : i64} {
  func.func @body(%arg0: memref<256x128xf32, #tpu.memory_space<vmem>>, %arg1: memref<4x128xf32, #tpu.memory_space<vmem>>, %arg2: memref<1x1xf32, #tpu.memory_space<smem>>) attributes {dimension_semantics = [], scalar_prefetch = 0 : i64, scratch_operands = 0 : i64, tpu.core_type = #tpu.core_type<tc>} {
    %get3A = arith.constant 0 : index
    %get3A_0 = arith.constant 0 : index
    %get3A_1 = vector.load %arg0[%get3A, %get3A_0] : memref<256x128xf32, #tpu.memory_space<vmem>>, vector<256x128xf32>
    %iota3A = tpu.iota {dimensions = array<i32: 0>} : vector<256x128xi32>
    %lt3A = arith.constant 128 : i32
    %lt3A_2 = vector.broadcast %lt3A : i32 to vector<256x128xi32>
    %lt3A_3 = arith.cmpi slt, %iota3A, %lt3A_2 : vector<256x128xi32>
    %jit3A = arith.constant 1.000000e+00 : f32
    %jit3A_4 = arith.constant -1.000000e+00 : f32
    %broadcast_in_dim3A = vector.broadcast %jit3A : f32 to vector<256x128xf32>
    %broadcast_in_dim3A_5 = vector.broadcast %jit3A_4 : f32 to vector<256x128xf32>
    %select_n3A = arith.select %lt3A_3, %broadcast_in_dim3A, %broadcast_in_dim3A_5 : vector<256x128xi1>, vector<256x128xf32>
    %neg3A = arith.constant 0.000000e+00 : f32
    %neg3A_6 = vector.broadcast %neg3A : f32 to vector<256x128xf32>
    %neg3A_7 = arith.subf %neg3A_6, %get3A_1 : vector<256x128xf32>
    %mul3A = arith.mulf %neg3A_7, %select_n3A : vector<256x128xf32>
    %max3A = arith.constant 0.000000e+00 : f32
    %max3A_8 = vector.broadcast %max3A : f32 to vector<256x128xf32>
    %max3A_9 = arith.maximumf %mul3A, %max3A_8 : vector<256x128xf32>
    %abs3A = math.absf %mul3A : vector<256x128xf32>
    %neg3A_10 = arith.constant 0.000000e+00 : f32
    %neg3A_11 = vector.broadcast %neg3A_10 : f32 to vector<256x128xf32>
    %neg3A_12 = arith.subf %neg3A_11, %abs3A : vector<256x128xf32>
    %exp3A = math.exp %neg3A_12 : vector<256x128xf32>
    %log1p3A = math.log1p %exp3A : vector<256x128xf32>
    %add3A = arith.addf %max3A_9, %log1p3A : vector<256x128xf32>
    %get3A_13 = arith.constant 0 : index
    %get3A_14 = arith.constant 0 : index
    %get3A_15 = vector.load %arg1[%get3A_13, %get3A_14] : memref<4x128xf32, #tpu.memory_space<vmem>>, vector<4x128xf32>
    %reduce_sum3A = vector.shape_cast %get3A_15 : vector<4x128xf32> to vector<1x4x128xf32>
    %reduce_sum3A_16 = arith.constant dense<0.000000e+00> : vector<1xf32>
    %reduce_sum3A_17 = vector.multi_reduction <add>, %reduce_sum3A, %reduce_sum3A_16 [1, 2] : vector<1x4x128xf32> to vector<1xf32>
    %reduce_sum3A_18 = vector.shape_cast %reduce_sum3A_17 : vector<1xf32> to vector<1x1x1xf32>
    %reduce_sum3A_19 = vector.extract %reduce_sum3A_18[0, 0, 0] : f32 from vector<1x1x1xf32>
    %div3A = arith.constant 0x4A000000 : f32
    %div3A_20 = arith.divf %reduce_sum3A_19, %div3A : f32
    %reduce_sum3A_21 = vector.shape_cast %add3A : vector<256x128xf32> to vector<1x256x128xf32>
    %reduce_sum3A_22 = arith.constant dense<0.000000e+00> : vector<1xf32>
    %reduce_sum3A_23 = vector.multi_reduction <add>, %reduce_sum3A_21, %reduce_sum3A_22 [1, 2] : vector<1x256x128xf32> to vector<1xf32>
    %reduce_sum3A_24 = vector.shape_cast %reduce_sum3A_23 : vector<1xf32> to vector<1x1x1xf32>
    %reduce_sum3A_25 = vector.extract %reduce_sum3A_24[0, 0, 0] : f32 from vector<1x1x1xf32>
    %div3A_26 = arith.constant 3.276800e+04 : f32
    %div3A_27 = arith.divf %reduce_sum3A_25, %div3A_26 : f32
    %mul3A_28 = arith.constant 0.00999999977 : f32
    %mul3A_29 = arith.mulf %mul3A_28, %div3A_20 : f32
    %add3A_30 = arith.addf %div3A_27, %mul3A_29 : f32
    %swap3A = arith.constant 0 : index
    %swap3A_31 = arith.constant 0 : index
    %swap3A_32 = memref.load %arg2[%swap3A, %swap3A_31] : memref<1x1xf32, #tpu.memory_space<smem>>
    memref.store %add3A_30, %arg2[%swap3A, %swap3A_31] : memref<1x1xf32, #tpu.memory_space<smem>>
    return
  }
}

</mosaic_0001>

<sc_bundles>
// kernel: kernel.4.cloned.1.call-start
scs
__scs_entry_jumppad:
0x0: {  	(pc) =	sbr.rel $0x88, $3  }
0x1: {  	(tag) =	ssettag $0x0;
	lr =	simm.s32 $0x1  }
0x2: {  	[smem:$0x3F99] =	sst lr;
	_ =	strace $0xD0000000  }
0x3: {  	_ = 	snop  }
0x4: {  	_ = 	snop  }
0x5: {  	_ = 	snop  }
0x6: {  	_ = 	snop  }
0x7: {  	_ = 	snop  }
__scs_overlays_trampoline_lowered:
0x8: {  	[smem:$0x3FA8] =	sst s0  }
0x9: {  	[smem:$0x3FA9] =	sst s1  }
0xa: {  	[smem:$0x3FAA] =	sst s2  }
0xb: {  	[smem:$0x3FAB] =	sst s3  }
0xc: {  	[smem:$0x3FAC] =	sst s4  }
0xd: {  	[smem:$0x3FAD] =	sst s5  }
0xe: {  	[smem:$0x3FAE] =	sst s6  }
0xf: {  	[smem:$0x3FAF] =	sst s7  }
0x10: {  	[smem:$0x3FB0] =	sst s8  }
0x11: {  	[smem:$0x3FB1] =	sst s9;
	s0 =	simm.s32 @!p0 $0x0  }
0x12: {  	s1 =	sld [smem:$0x3F97];
	s0 =	simm.s32 @p0 $0x1  }
0x13: {  	[smem:$0x3FB2] =	sst s0;
	s0 =	simm.s32 @!p1 $0x0  }
0x14: {  	s2 =	sld [smem:$0x3F96];
	s0 =	simm.s32 @p1 $0x1  }
0x15: {  	[smem:$0x3FB3] =	sst s0;
	s0 =	simm.s32 @!p2 $0x0  }
0x16: {  	s3 =	sld [smem:$0x3FDB];
	s0 =	simm.s32 @p2 $0x1  }
0x17: {  	s4 =	simm.s32 $0x1BF5;
	[smem:$0x3FB5] =	sst s0  }
0x18: {  	s0 =	sld [smem:$0x3F98];
	_ =	swait.ge [sflag:s4], $0x0  }
0x19: {  	s7 =	sld [smem:$0x3F99]  }
0x1a: {  	s8 =	sadd.s32 $0xFFFFE003, lr  }
0x1b: {  	s9 =	sadd.s32 $0xFFFFFEF7, lr;
	s5 =	simm.s32 $0xFFFFFFFF;
	p2 =	slt.u32 s8, $0xFFFFF086  }
0x1c: {  	p1 =	slt.u32 s9, $0xF7A;
	s5 =	simm.s32 @!p2 $0x0  }
0x1d: {  	s5 =	simm.s32 @p1 $0x1;
	p0 =	seq.s32 s7, s2  }
0x1e: {  	s7 =	smul.u32 @!p0 $0xF7A, s2;
	p2 =	seq.s32 @!p0 s5, $0x0  }
0x1f: {  	s9 =	smul.u32 $0xF7A, s1;
	s8 =	simm.s32 @!p0 $0x1BF5;
	p2 =	por !p2, p0  }
0x20: {  	[sflag:s8] =	ssyncset.s32 @!p0 $0xFFFFF086;
	s6 =	sadd.s32 @!p0 s3, s7;
	s7 =	simm.s32 @!p0 $0x108  }
0x21: {  	s3 =	sadd.s32 s3, s9;
	s6 =	sadd.s32 @!p0 $0x88, s6;
	s7 =	simm.s32 @p2 $0x1082  }
0x22: {  	[simem:s7], [sflag:s8] =	dma.local @!p0 [hbm:s6], $0xF7A  }
0x23: {  	s9 =	sor.u32 $0xD0000000, s2;
	s6 =	simm.s32 $0x108;
	_ =	swait.ge @!p0 [sflag:s8], $0x0  }
0x24: {  	s3 =	sadd.s32 $0x88, s3;
	s6 =	simm.s32 @!p1 $0x1082;
	[sflag:s4] =	ssyncset.s32 $0xFFFFF086  }
0x25: {  	[simem:s6], [sflag:s4] =	dma.local [hbm:s3], $0xF7A  }
0x26: {  	[smem:$0x3F99] =	sst s1;
	(tag) =	ssettag s2;
	_ =	strace s9  }
0x27: {  	s1 =	sld [smem:$0x3FA9]  }
0x28: {  	s2 =	sld [smem:$0x3FAA]  }
0x29: {  	s4 =	sld [smem:$0x3FAC]  }
0x2a: {  	p0 =	seq.s32 s5, $0x0;
	s5 =	sld [smem:$0x3FAD]  }
0x2b: {  	s6 =	sld [smem:$0x3FAE]  }
0x2c: {  	s7 =	sld [smem:$0x3FAF]  }
0x2d: {  	s3 =	simm.s32 $0x108;
	s8 =	sld [smem:$0x3FB0]  }
0x2e: {  	s3 =	simm.s32 @!p0 $0x1082;
	s9 =	sld [smem:$0x3FB1]  }
0x2f: {  	lr =	sadd.s32 s0, s3;
	s0 =	sld [smem:$0x3FA8]  }
0x30: {  	s3 =	sld [smem:$0x3FAB]  }
0x31: {  	[smem:$0x3FB4] =	sst s10  }
0x32: {  	s10 =	sld [smem:$0x3FB2];
	_ =	sdelay $0x3  }
0x33: {  	p0 =	seq.s32 s10, $0x1;
	s10 =	sld [smem:$0x3FB4];
	_ =	sdelay $0x3  }
0x34: {  	[smem:$0x3FB4] =	sst s10  }
0x35: {  	s10 =	sld [smem:$0x3FB3];
	_ =	sdelay $0x3  }
0x36: {  	p1 =	seq.s32 s10, $0x1;
	s10 =	sld [smem:$0x3FB4];
	_ =	sdelay $0x3  }
0x37: {  	[smem:$0x3FB4] =	sst s10  }
0x38: {  	s10 =	sld [smem:$0x3FB5]  }
0x39: {  	_ = 	snop;
	(pc) =	sbr.ind lr, $3  }
0x3a: {  	_ = 	snop  }
0x3b: {  	_ = 	snop  }
0x3c: {  	p2 =	seq.s32 s10, $0x1;
	s10 =	sld [smem:$0x3FB4]  }
0x3d: {  	_ =	shalt  }
0x3e: {  	_ =	shalt  }
0x3f: {  	_ =	shalt  }
0x40: {  	_ =	shalt  }
0x41: {  	_ =	shalt  }
0x42: {  	_ =	shalt  }
0x43: {  	_ =	shalt  }
0x44: {  	_ =	shalt  }
0x45: {  	_ =	shalt  }
0x46: {  	_ =	shalt  }
0x47: {  	_ =	shalt  }
0x48: {  	_ =	shalt  }
0x49: {  	_ =	shalt  }
0x4a: {  	_ =	shalt  }
0x4b: {  	_ =	shalt  }
0x4c: {  	_ =	shalt  }
0x4d: {  	_ =	shalt  }
0x4e: {  	_ =	shalt  }
0x4f: {  	_ =	shalt  }
0x50: {  	_ =	shalt  }
0x51: {  	_ =	shalt  }
0x52: {  	_ =	shalt  }
0x53: {  	_ =	shalt  }
0x54: {  	_ =	shalt  }
0x55: {  	_ =	shalt  }
0x56: {  	_ =	shalt  }
0x57: {  	_ =	shalt  }
0x58: {  	_ =	shalt  }
0x59: {  	_ =	shalt  }
0x5a: {  	_ =	shalt  }
0x5b: {  	_ =	shalt  }
0x5c: {  	_ =	shalt  }
0x5d: {  	_ =	shalt  }
0x5e: {  	_ =	shalt  }
0x5f: {  	_ =	shalt  }
0x60: {  	_ =	shalt  }
0x61: {  	_ =	shalt  }
0x62: {  	_ =	shalt  }
0x63: {  	_ =	shalt  }
0x64: {  	_ =	shalt  }
0x65: {  	_ =	shalt  }
0x66: {  	_ =	shalt  }
0x67: {  	_ =	shalt  }
0x68: {  	_ =	shalt  }
0x69: {  	_ =	shalt  }
0x6a: {  	_ =	shalt  }
0x6b: {  	_ =	shalt  }
0x6c: {  	_ =	shalt  }
0x6d: {  	_ =	shalt  }
0x6e: {  	_ =	shalt  }
0x6f: {  	_ =	shalt  }
0x70: {  	_ =	shalt  }
0x71: {  	_ =	shalt  }
0x72: {  	_ =	shalt  }
0x73: {  	_ =	shalt  }
0x74: {  	_ =	shalt  }
0x75: {  	_ =	shalt  }
0x76: {  	_ =	shalt  }
0x77: {  	_ =	shalt  }
0x78: {  	_ =	shalt  }
0x79: {  	_ =	shalt  }
0x7a: {  	_ =	shalt  }
0x7b: {  	_ =	shalt  }
0x7c: {  	_ =	shalt  }
0x7d: {  	_ =	shalt  }
0x7e: {  	_ =	shalt  }
0x7f: {  	_ =	shalt  }
0x80: {  	_ =	shalt  }
0x81: {  	_ =	shalt  }
0x82: {  	_ =	shalt  }
0x83: {  	_ =	shalt  }
0x84: {  	_ =	shalt  }
0x85: {  	_ =	shalt  }
0x86: {  	_ =	shalt  }
0x87: {  	_ =	shalt  }
.Lfunc_end0:
.L_simem_size_0:
called_computation_lowered:
.L_overlay_start_0:
0x88: {  	s2 =	sld [smem:$0x3FD9]  }
0x89: {  	s3 =	sld [smem:$0x3FFE];
	_ =	sdelay $0x1  }
0x8a: {  	s1 =	srdreg.scid  }
0x8b: {  	s0 =	sand.u32 $0x1, s1  }
0x8c: {  	s16 =	sshll.u32 s0, $0xA;
	s2 =	sadd.s32 s3, s2  }
0x8d: {  	s2 =	sadd.s32 s2, s16  }
0x8e: {  	[smem:$0x3FC0] =	sst s2  }
0x8f: {  	_ = 	snop  }
0x90: {  	(tm) =	ssettm $0x1  }
0x91: {  	s17 =	sld [smem:$0x3FFB];
	_ =	sdelay $0x3  }
0x92: {  	_ =	strace s17  }
0x93: {  	s2 =	sld [smem:$0x3FFC];
	_ =	sdelay $0x3  }
0x94: {  	_ =	strace s2  }
0x95: {  	s2 =	sld [smem:$0x3FFD];
	_ =	sdelay $0x3  }
0x96: {  	_ =	strace s2  }
0x97: {  	_ =	strace $0x8FFFFFFF  }
0x98: {  	s18 =	sld [smem:$0x3FDB];
	_ =	sdelay $0x1  }
0x99: {  	s19 =	simm.s32 $_scs_section_size  }
0x9a: {  	s4 =	simm.s32 $_size__tile_overlayer_lowered;
	s5 =	simm.s32 $_tile_overlayer_lowered  }
0x9b: {  	s22 =	simm.s32 $0x1BFF;
	s21 =	sshll.u32 s5, $0x1;
	s2 =	sadd.s32 s19, s18  }
0x9c: {  	s6 =	simm.s32 $0x0;
	s20 =	sshll.u32 s4, $0x1;
	s4 =	sadd.s32 s21, s2  }
0x9d: {  	[timem:s6], [sflag:s22] =	dma.local [hbm:s4], s20  }
0x9e: {  	_ =	swait.ge [sflag:s22], s20  }
0x9f: {  	s3 =	ssub.s32 $0x0, s20;
	[sflag:s22] =	ssyncset.done $0x0  }
0xa0: {  	[sflag:s22] =	ssyncadd.s32 s3;
	_ =	sdelay $0x1  }
0xa1: {  	s23 =	simm.s32 $0x1B8B  }
0xa2: {  	_ =	swait.ge [sflag:s23], $0x1  }
0xa3: {  	[sflag:s23] =	ssyncset.done $0x0  }
0xa4: {  	s25 =	simm.s32 $0x1B8E;
	s24 =	sld [smem:$0x3FFE];
	[sflag:s23] =	ssyncadd.s32 $0xFFFFFFFF  }
0xa5: {  	s26 =	simm.s32 $execute0_lowered;
	[smem:$0x3FD2] =	sst s25  }
0xa6: {  	s4 =	sshll.u32 s26, $0x1;
	_ =	strace $0x80000046;
	[dreg:$0x1] =	wrdreg $0xFFFFFFFF  }
0xa7: {  	s28 =	simm.s32 $_size_execute0_lowered;
	s2 =	sadd.s32 s2, s4;
	[dreg:$0x0] =	wrdreg $0x0  }
0xa8: {  	s4 =	sshll.u32 s28, $0x1;
	[dreg:$0x2] =	wrdreg s2  }
0xa9: {  	[dreg:$0x3] =	wrdreg s4  }
0xaa: {  	[dreg:$0x4] =	wrdreg $0xC0  }
0xab: {  	_ =	task [dreg:s6], $0x5FFFF  }
0xac: {  	[dreg:$0x1] =	wrdreg $0xFFFFFFFF  }
0xad: {  	[dreg:$0x0] =	wrdreg $0x60  }
0xae: {  	[dreg:$0x2] =	wrdreg s24  }
0xaf: {  	[dreg:$0x3] =	wrdreg $0x9  }
0xb0: {  	_ =	task.clear_ibuf [dreg:s6], $0x4FFFF;
	_ =	strace $0x90000046  }
0xb1: {  	s29 =	simm.s32 $0x9;
	_ =	strace $0x80000048  }
0xb2: {  	_ =	swait.ge [sflag:s29], $0x1  }
0xb3: {  	[sflag:s29] =	ssyncadd.s32 $0xFFFFFFFF  }
0xb4: {  	_ =	strace $0x90000048  }
0xb5: {  	_ =	sfence  }
0xb6: {  	s30 =	sld [smem:$0x0];
	_ =	sdelay $0x2  }
0xb7: {  	s31 =	sshll.u32 s1, $0xD;
	s1 =	sshrl.u32 s1, $0x2  }
0xb8: {  	s3 =	sand.u32 $0x4000, s31;
	s1 =	sadd.s32 s1, s30  }
0xb9: {  	s0 =	sor.u32 s3, s0;
	s1 =	sshll.u32 s1, $0x11  }
0xba: {  	s0 =	sor.u32 s1, s0  }
0xbb: {  	s0 =	sadd.s32 $0x8F2B, s0  }
0xbc: {  	[sflag:s0] =	ssyncadd.remote.s32 $0x1  }
0xbd: {  	_ =	sfence.sel $0xFFFF  }
0xbe: {  	[dreg:$0x0] =	wrdreg $0xFFFFFFFF;
	(pc) =	sbr.abs _section_cstart, $3  }
0xbf: {  	[dreg:$0x1] =	wrdreg $0xFFFFFFFF  }
0xc0: {  	_ =	task.clear_ibuf [dreg:s6], $0x2FFFF;
	_ =	strace $0x9FFFFFFF  }
0xc1: {  	(tm) =	ssettm $0x7FFFFFFF  }
tec
execute0_lowered:
.L_overlay_start_1:
0x0: {  	(tag) =	ssettag $0x1  }
0x1: {  	s0 =	rddreg [dreg:$0x0];
	s1 =	simm.s32 $0x0  }
0x2: {  	s5 =	srdreg.scid;
	s7 =	stileid.u32;
	s15 =	simm.s32 $0x2  }
0x3: {  	s16 =	simm.s32 $0x200;
	s17 =	simm.s32 $0x400;
	s18 =	simm.s32 $0x80  }
0x4: {  	s28 =	simm.s32 $0x4600;
	s29 =	simm.s32 $0x300;
	s30 =	simm.s32 $0xC600  }
0x5: {  	s31 =	simm.s32 $0x500;
	[smem:$0x7FF] =	sst s1;
	s3 =	sadd.s32 $0xF43E00, s0  }
0x6: {  	s4 =	sadd.s32 $0x1A00, s0;
	s2 =	sadd.s32 $0x5A00, s0;
	s6 =	sadd.s32 $0x4A00, s0  }
0x7: {  	s5 =	sand.u32 $0x1, s5;
	s7 =	sshll.u32 s7, $0x1;
	s8 =	sadd.s32 $0x3A00, s0  }
0x8: {  	_ =	strace $0x80000047;
	s7 =	sor.u32 s5, s7;
	s5 =	ssub.s32 $0x2, s5  }
0x9: {  	s9 =	sshll.u32 s7, $0x7;
	s7 =	sshll.u32 s7, $0x1;
	s10 =	sshrl.u32 s5, $0x1  }
0xa: {  	s11 =	sadd.s32 s9, s0;
	s0 =	sadd.s32 s7, s0;
	s19 =	sadd.s32 s2, s9  }
0xb: {  	s5 =	ssub.s32 s5, s10;
	s20 =	sadd.s32 s6, s9;
	[dreg:$0x2] =	wrdreg s19  }
0xc: {  	s21 =	sor.u32 $0x40, s9;
	s9 =	sadd.s32 s8, s9;
	[dreg:$0x3] =	wrdreg s20  }
0xd: {  	s7 =	simm.s32 $0xE600;
	[dreg:$0x4] =	wrdreg s9;
	s22 =	sadd.s32 $0x6A00, s11  }
0xe: {  	v0 =	vlaneseq.u32;
	s10 =	simm.s32 $0x18600;
	s2 =	sadd.s32 s2, s21;
	[dreg:$0x5] =	wrdreg s22  }
0xf: {  	v0 =	vmul.u32 $0x10, v0;
	s23 =	sadd.s32 s6, s21;
	s24 =	sadd.s32 s8, s21;
	[dreg:$0x6] =	wrdreg s2  }
0x10: {  	s25 =	sadd.s32 $0x6A40, s11;
	s0 =	sadd.s32 $0x7A00, s0;
	[dreg:$0x7] =	wrdreg s23  }
0x11: {  	v1 =	vor.u32 $0x1, v0;
	v2 =	vor.u32 $0x2, v0;
	v3 =	vor.u32 $0x3, v0;
	s26 =	smax.u32 s5, $0x1;
	s5 =	simm.s32 $0x6600;
	[dreg:$0x8] =	wrdreg s24  }
0x12: {  	v4 =	vor.u32 $0x4, v0;
	v5 =	vor.u32 $0x5, v0;
	v6 =	vor.u32 $0x6, v0;
	s6 =	simm.s32 $0x380;
	s8 =	simm.s32 $0x580;
	[dreg:$0x9] =	wrdreg s25  }
0x13: {  	v7 =	vor.u32 $0x7, v0;
	v8 =	vor.u32 $0x8, v0;
	v9 =	vor.u32 $0x9, v0;
	s19 =	simm.s32 $0x16600;
	s9 =	simm.s32 $0x1;
	[dreg:$0xa] =	wrdreg s0  }
0x14: {  	v10 =	vor.u32 $0xA, v0;
	v11 =	vor.u32 $0xB, v0;
	v12 =	vor.u32 $0xC, v0;
	s20 =	simm.s32 $0x18800;
	s21 =	simm.s32 $0x0;
	[dreg:$0xb] =	wrdreg s26  }
0x15: {  	v13 =	vor.u32 $0xD, v0;
	v14 =	vor.u32 $0xE, v0;
	v15 =	vor.u32 $0xF, v0;
	s26 =	simm.s32 $0x100;
	s0 =	simm.s32 $0x14600;
	s2 =	simm.s32 $0x180  }
.LBB2_1:
0x16: {  	s11 =	rddreg [dreg:$0x2]  }
0x17: {  	[tilespmem:s1], [sflag:$0x2] =	stream.linear.gather [hbm4b:s11+s1], $0x200, $0x38;
	[tilespmem:$0x18910] =	vst v63  }
0x18: {  	_ =	swait.ge [sflag:s15], $0x200  }
0x19: {  	[sflag:s15] =	ssyncset.done $0x0  }
0x1a: {  	s12 =	rddreg [dreg:$0x3];
	[sflag:s15] =	ssyncadd.s32 $0xFFFFFE00  }
0x1b: {  	[tilespmem:s16], [sflag:$0x2] =	stream.linear.gather [hbm4b:s12+s1], $0x200, $0x38;
	[tilespmem:$0x18910] =	vst v63  }
0x1c: {  	_ =	swait.ge [sflag:s15], $0x200  }
0x1d: {  	[sflag:s15] =	ssyncset.done $0x0  }
0x1e: {  	s13 =	rddreg [dreg:$0x4];
	[sflag:s15] =	ssyncadd.s32 $0xFFFFFE00  }
0x1f: {  	[tilespmem:s17], [sflag:$0x2] =	stream.linear.gather [hbm4b:s13+s1], $0x200, $0x38;
	[tilespmem:$0x18910] =	vst v63  }
0x20: {  	_ =	swait.ge [sflag:s15], $0x200  }
0x21: {  	[sflag:s15] =	ssyncset.done $0x0  }
0x22: {  	s14 =	simm.s32 $0x600;
	[sflag:s15] =	ssyncadd.s32 $0xFFFFFE00  }
0x23: {  	[tilespmem:s14], [sflag:$0x1] =	stream.indirect.gather [hbm4b:s3+s18], $0x40, s1, s18, $0xb8;
	[tilespmem:$0x18910] =	vst v63  }
0x24: {  	s22 =	simm.s32 $0x8600  }
0x25: {  	[tilespmem:s22], [sflag:$0x1] =	stream.indirect.gather [hbm4b:s3+s18], $0x40, s16, s18, $0xb8;
	[tilespmem:$0x18910] =	vst v63  }
0x26: {  	s11 =	simm.s32 $0x10600  }
0x27: {  	[tilespmem:s11], [sflag:$0x1] =	stream.indirect.gather [hbm4b:s4+s18], $0x40, s17, s18, $0xb8;
	[tilespmem:$0x18910] =	vst v63  }
0x28: {  	s12 =	simm.s32 $0x2600  }
0x29: {  	[tilespmem:s12], [sflag:$0x1] =	stream.indirect.gather [hbm4b:s3+s18], $0x40, s18, s18, $0xb8;
	[tilespmem:$0x18910] =	vst v63  }
0x2a: {  	s23 =	simm.s32 $0x280;
	s13 =	simm.s32 $0xA600  }
0x2b: {  	[tilespmem:s13], [sflag:$0x1] =	stream.indirect.gather [hbm4b:s3+s18], $0x40, s23, s18, $0xb8;
	[tilespmem:$0x18910] =	vst v63  }
0x2c: {  	s24 =	simm.s32 $0x480;
	s25 =	simm.s32 $0x12600  }
0x2d: {  	[tilespmem:s25], [sflag:$0x1] =	stream.indirect.gather [hbm4b:s4+s18], $0x40, s24, s18, $0xb8;
	[tilespmem:$0x18910] =	vst v63  }
0x2e: {  	_ = 	snop  }
0x2f: {  	[tilespmem:s28], [sflag:$0x1] =	stream.indirect.gather [hbm4b:s3+s18], $0x40, s26, s18, $0xb8;
	[tilespmem:$0x18910] =	vst v63  }
0x30: {  	_ = 	snop  }
0x31: {  	[tilespmem:s30], [sflag:$0x1] =	stream.indirect.gather [hbm4b:s3+s18], $0x40, s29, s18, $0xb8;
	[tilespmem:$0x18910] =	vst v63  }
0x32: {  	_ = 	snop  }
0x33: {  	[tilespmem:s0], [sflag:$0x1] =	stream.indirect.gather [hbm4b:s4+s18], $0x40, s31, s18, $0xb8;
	[tilespmem:$0x18910] =	vst v63  }
0x34: {  	_ = 	snop  }
0x35: {  	[tilespmem:s5], [sflag:$0x1] =	stream.indirect.gather [hbm4b:s3+s18], $0x40, s2, s18, $0xb8;
	[tilespmem:$0x18910] =	vst v63  }
0x36: {  	_ = 	snop  }
0x37: {  	[tilespmem:s7], [sflag:$0x1] =	stream.indirect.gather [hbm4b:s3+s18], $0x40, s6, s18, $0xb8;
	[tilespmem:$0x18910] =	vst v63  }
0x38: {  	_ = 	snop  }
0x39: {  	[tilespmem:s19], [sflag:$0x1] =	stream.indirect.gather [hbm4b:s4+s18], $0x40, s8, s18, $0xb8;
	[tilespmem:$0x18910] =	vst v63  }
0x3a: {  	_ =	swait.ge [sflag:s9], $0x2000  }
0x3b: {  	[sflag:s9] =	ssyncset.done $0x0  }
0x3c: {  	[sflag:s9] =	ssyncadd.s32 $0xFFFFE000  }
0x3d: {  	_ =	swait.ge [sflag:s9], $0x2000  }
0x3e: {  	[sflag:s9] =	ssyncset.done $0x0  }
0x3f: {  	[sflag:s9] =	ssyncadd.s32 $0xFFFFE000  }
0x40: {  	_ =	swait.ge [sflag:s9], $0x2000  }
0x41: {  	[sflag:s9] =	ssyncset.done $0x0  }
0x42: {  	[sflag:s9] =	ssyncadd.s32 $0xFFFFE000  }
0x43: {  	_ =	swait.ge [sflag:s9], $0x2000  }
0x44: {  	[sflag:s9] =	ssyncset.done $0x0  }
0x45: {  	[sflag:s9] =	ssyncadd.s32 $0xFFFFE000  }
0x46: {  	_ =	swait.ge [sflag:s9], $0x2000  }
0x47: {  	[sflag:s9] =	ssyncset.done $0x0  }
0x48: {  	[sflag:s9] =	ssyncadd.s32 $0xFFFFE000  }
0x49: {  	_ =	swait.ge [sflag:s9], $0x2000  }
0x4a: {  	[sflag:s9] =	ssyncset.done $0x0  }
0x4b: {  	[sflag:s9] =	ssyncadd.s32 $0xFFFFE000  }
0x4c: {  	_ =	swait.ge [sflag:s9], $0x2000  }
0x4d: {  	[sflag:s9] =	ssyncset.done $0x0  }
0x4e: {  	[sflag:s9] =	ssyncadd.s32 $0xFFFFE000  }
0x4f: {  	_ =	swait.ge [sflag:s9], $0x2000  }
0x50: {  	[sflag:s9] =	ssyncset.done $0x0  }
0x51: {  	[sflag:s9] =	ssyncadd.s32 $0xFFFFE000  }
0x52: {  	_ =	swait.ge [sflag:s9], $0x2000  }
0x53: {  	[sflag:s9] =	ssyncset.done $0x0  }
0x54: {  	[sflag:s9] =	ssyncadd.s32 $0xFFFFE000  }
0x55: {  	_ =	swait.ge [sflag:s9], $0x2000  }
0x56: {  	[sflag:s9] =	ssyncset.done $0x0  }
0x57: {  	[sflag:s9] =	ssyncadd.s32 $0xFFFFE000  }
0x58: {  	_ =	swait.ge [sflag:s9], $0x2000  }
0x59: {  	[sflag:s9] =	ssyncset.done $0x0  }
0x5a: {  	[sflag:s9] =	ssyncadd.s32 $0xFFFFE000  }
0x5b: {  	_ =	swait.ge [sflag:s9], $0x2000  }
0x5c: {  	s22 =	simm.s32 $0x8630;
	[sflag:s9] =	ssyncset.done $0x0  }
0x5d: {  	v16 =	vimm.f32 $0.0e+00;
	s12 =	simm.s32 $0x630;
	s13 =	simm.s32 $0x0;
	[sflag:s9] =	ssyncadd.s32 $0xFFFFE000  }
.LBB2_2:
0x5e: {  	v19 =	vmov s22  }
0x5f: {  	v17 =	vmov s11  }
0x60: {  	v18 =	vmov s12;
	_ =	sdelay $0x1  }
0x61: {  	s14 =	simm.s32 $0x0  }
0x62: {  	v21 =	vld.idx.msk [tilespmem:v19+s14+$0xFFFFFFF0 ss:$0x1], $0xffff  }
0x63: {  	v22 =	vld.idx.msk [tilespmem:v17+s14+$0x0 ss:$0x1], $0xffff  }
0x64: {  	v23 =	vld.idx.msk [tilespmem:v18+s14+$0xFFFFFFE0 ss:$0x1], $0xffff  }
0x65: {  	v20 =	vld.idx.msk [tilespmem:v19+s14+$0xFFFFFFD0 ss:$0x1], $0xffff  }
0x66: {  	v24 =	vld.idx.msk [tilespmem:v18+s14+$0xFFFFFFD0 ss:$0x1], $0xffff  }
0x67: {  	v25 =	vld.idx.msk [tilespmem:v19+s14+$0xFFFFFFE0 ss:$0x1], $0xffff  }
0x68: {  	v26 =	vld.idx.msk [tilespmem:v18+s14+$0xFFFFFFF0 ss:$0x1], $0xffff  }
0x69: {  	v29 =	vld.idx.msk [tilespmem:v19+s14+$0x0 ss:$0x1], $0xffff  }
0x6a: {  	v27 =	vld.idx.msk [tilespmem:v17+s14+$0x10 ss:$0x1], $0xffff  }
0x6b: {  	v28 =	vld.idx.msk [tilespmem:v18+s14+$0x0 ss:$0x1], $0xffff;
	v30 =	vmul.f32 v20, v24;
	v24 =	vmul.f32 v24, v24  }
0x6c: {  	v31 =	vld.idx.msk [tilespmem:v17+s14+$0x20 ss:$0x1], $0xffff;
	v32 =	vmul.f32 v20, v20  }
0x6d: {  	v33 =	vmul.f32 v25, v23;
	v30 =	vmul.f32 v22, v30;
	v16 =	vadd.f32 v24, v16  }
0x6e: {  	v20 =	vld.idx.msk [tilespmem:v17+s14+$0x30 ss:$0x1], $0xffff;
	v24 =	vmul.f32 v21, v26;
	v22 =	vmul.f32 v22, v22  }
0x6f: {  	v62 =	vmul.f32 v27, v33;
	v30 =	vadd.f32 $0.0e+00, v30;
	v16 =	vadd.f32 v32, v16  }
0x70: {  	v23 =	vmul.f32 v23, v23;
	v63 =	vmul.f32 v29, v28  }
0x71: {  	v24 =	vmul.f32 v31, v24;
	v16 =	vadd.f32 v22, v16;
	v22 =	vadd.f32 v62, v30  }
0x72: {  	v25 =	vmul.f32 v25, v25  }
0x73: {  	v16 =	vadd.f32 v23, v16;
	v22 =	vadd.f32 v24, v22;
	v23 =	vmul.f32 v20, v63;
	_ =	sdelay $0x1  }
0x74: {  	v24 =	vmul.f32 v27, v27;
	v16 =	vadd.f32 v25, v16;
	v22 =	vadd.f32 v23, v22  }
0x75: {  	s23 =	simm.s32 $0x18800  }
0x76: {  	s24 =	simm.s32 $0x40;
	v23 =	vmul.f32 v26, v26;
	v24 =	vadd.f32 v24, v16;
	[tilespmem:s23+$0x0] =	vst v22  }
0x77: {  	v16 =	vld.idx.msk [tilespmem:v19+s24+$0xFFFFFFF0 ss:$0x1], $0xffff  }
0x78: {  	v25 =	vmul.f32 v21, v21;
	v22 =	vld.idx.msk [tilespmem:v17+s24+$0x0 ss:$0x1], $0xffff;
	v23 =	vadd.f32 v23, v24  }
0x79: {  	v21 =	vld.idx.msk [tilespmem:v18+s24+$0xFFFFFFE0 ss:$0x1], $0xffff  }
0x7a: {  	v26 =	vmul.f32 v31, v31;
	v24 =	vld.idx.msk [tilespmem:v19+s24+$0xFFFFFFD0 ss:$0x1], $0xffff;
	v23 =	vadd.f32 v25, v23  }
0x7b: {  	v25 =	vld.idx.msk [tilespmem:v18+s24+$0xFFFFFFD0 ss:$0x1], $0xffff  }
0x7c: {  	s14 =	simm.s32 $0x200;
	v27 =	vmul.f32 v28, v28;
	v28 =	vadd.f32 v26, v23;
	v23 =	vld.idx.msk [tilespmem:v19+s24+$0xFFFFFFE0 ss:$0x1], $0xffff;
	v26 =	vmul.f32 v29, v29  }
.LBB2_3:
0x7d: {  	p0 =	sne.s32 s14, $0xF00  }
0x7e: {  	v29 =	vld.idx.msk [tilespmem:v18+s24+$0xFFFFFFF0 ss:$0x1], $0xffff;
	v27 =	vadd.f32 v27, v28;
	s23 =	sadd.s32 $0x10, s23;
	s25 =	smov.u32 s14;
	s14 =	sadd.s32 $0x100, s14  }
0x7f: {  	v20 =	vmul.f32 v20, v20;
	v30 =	vld.idx.msk [tilespmem:v19+s24+$0x0 ss:$0x1], $0xffff  }
0x80: {  	v28 =	vld.idx.msk [tilespmem:v17+s24+$0x10 ss:$0x1], $0xffff;
	v26 =	vadd.f32 v26, v27  }
0x81: {  	v27 =	vld.idx.msk [tilespmem:v18+s24+$0x0 ss:$0x1], $0xffff  }
0x82: {  	v31 =	vmul.f32 v24, v25;
	v25 =	vmul.f32 v25, v25;
	v32 =	vld.idx.msk [tilespmem:v17+s24+$0x20 ss:$0x1], $0xffff;
	v20 =	vadd.f32 v20, v26  }
0x83: {  	v24 =	vmul.f32 v24, v24;
	v26 =	vmul.f32 v23, v21  }
0x84: {  	v31 =	vmul.f32 v22, v31;
	v33 =	vmul.f32 v16, v29;
	v25 =	vadd.f32 v25, v20;
	v20 =	vld.idx.msk [tilespmem:v17+s24+$0x30 ss:$0x1], $0xffff  }
0x85: {  	v22 =	vmul.f32 v22, v22  }
0x86: {  	v31 =	vadd.f32 $0.0e+00, v31;
	v24 =	vadd.f32 v24, v25;
	v25 =	vmul.f32 v28, v26  }
0x87: {  	v21 =	vmul.f32 v21, v21;
	v26 =	vmul.f32 v30, v27  }
0x88: {  	v22 =	vadd.f32 v22, v24;
	v24 =	vadd.f32 v25, v31;
	v25 =	vmul.f32 v32, v33  }
0x89: {  	v23 =	vmul.f32 v23, v23  }
0x8a: {  	v21 =	vadd.f32 v21, v22;
	v22 =	vadd.f32 v25, v24;
	v24 =	vmul.f32 v20, v26  }
0x8b: {  	v25 =	vmul.f32 v28, v28  }
0x8c: {  	v21 =	vadd.f32 v23, v21;
	v22 =	vadd.f32 v24, v22  }
0x8d: {  	v23 =	vmul.f32 v29, v29  }
0x8e: {  	v21 =	vadd.f32 v25, v21;
	[tilespmem:s23+$0x0] =	vst v22  }
0x8f: {  	s24 =	sshra.s32 s25, $0x2;
	v24 =	vmul.f32 v16, v16  }
0x90: {  	v16 =	vld.idx.msk [tilespmem:v19+s24+$0xFFFFFFF0 ss:$0x1], $0xffff;
	v23 =	vadd.f32 v23, v21  }
.Ltmp0:
0x91: {  	v26 =	vmul.f32 v32, v32;
	v22 =	vld.idx.msk [tilespmem:v17+s24+$0x0 ss:$0x1], $0xffff;
	(pc) =	sbr.rel @p0 .LBB2_3-.Ltmp0, $4  }
0x92: {  	v21 =	vld.idx.msk [tilespmem:v18+s24+$0xFFFFFFE0 ss:$0x1], $0xffff;
	v23 =	vadd.f32 v24, v23  }
0x93: {  	v27 =	vmul.f32 v27, v27;
	v24 =	vld.idx.msk [tilespmem:v19+s24+$0xFFFFFFD0 ss:$0x1], $0xffff  }
0x94: {  	v25 =	vld.idx.msk [tilespmem:v18+s24+$0xFFFFFFD0 ss:$0x1], $0xffff;
	v28 =	vadd.f32 v26, v23  }
0x95: {  	v26 =	vmul.f32 v30, v30;
	v23 =	vld.idx.msk [tilespmem:v19+s24+$0xFFFFFFE0 ss:$0x1], $0xffff  }
0x96: {  	_ =	sdelay $0x3  }
0x97: {  	v29 =	vld.idx.msk [tilespmem:v18+s24+$0xFFFFFFF0 ss:$0x1], $0xffff  }
0x98: {  	v19 =	vld.idx.msk [tilespmem:v19+s24+$0x0 ss:$0x1], $0xffff  }
0x99: {  	v30 =	vld.idx.msk [tilespmem:v17+s24+$0x10 ss:$0x1], $0xffff  }
0x9a: {  	v18 =	vld.idx.msk [tilespmem:v18+s24+$0x0 ss:$0x1], $0xffff;
	v31 =	vmul.f32 v24, v25  }
0x9b: {  	v32 =	vld.idx.msk [tilespmem:v17+s24+$0x20 ss:$0x1], $0xffff  }
0x9c: {  	v33 =	vmul.f32 v23, v21;
	v31 =	vmul.f32 v22, v31  }
0x9d: {  	v17 =	vld.idx.msk [tilespmem:v17+s24+$0x30 ss:$0x1], $0xffff  }
0x9e: {  	v34 =	vmul.f32 v16, v29;
	v33 =	vmul.f32 v30, v33;
	v31 =	vadd.f32 $0.0e+00, v31;
	_ =	sdelay $0x1  }
0x9f: {  	v35 =	vmul.f32 v19, v18;
	v59 =	vmul.f32 v32, v34;
	v31 =	vadd.f32 v33, v31;
	_ =	sdelay $0x1  }
0xa0: {  	v60 =	vmul.f32 v17, v35;
	v31 =	vadd.f32 v59, v31;
	_ =	sdelay $0x1  }
0xa1: {  	v31 =	vadd.f32 v60, v31  }
0xa2: {  	s14 =	sadd.s32 $0x10, s23  }
0xa3: {  	[tilespmem:s14+$0x0] =	vst v31  }
0xa4: {  	v31 =	vld.idx.msk [tilespmem:v0+s20+$0x0], $0xffff;
	_ =	sdelay $0x1  }
0xa5: {  	v61 =	vld.idx.msk [tilespmem:v1+s20+$0x0], $0xffff;
	_ =	sdelay $0x1  }
0xa6: {  	v62 =	vld.idx.msk [tilespmem:v2+s20+$0x0], $0xffff  }
0xa7: {  	v31 =	vadd.f32 $0.0e+00, v31  }
0xa8: {  	v63 =	vld.idx.msk [tilespmem:v3+s20+$0x0], $0xffff  }
0xa9: {  	v31 =	vadd.f32 v61, v31  }
0xaa: {  	v36 =	vld.idx.msk [tilespmem:v4+s20+$0x0], $0xffff  }
0xab: {  	v27 =	vadd.f32 v27, v28;
	v37 =	vadd.f32 v62, v31  }
0xac: {  	v38 =	vld.idx.msk [tilespmem:v5+s20+$0x0], $0xffff  }
0xad: {  	v20 =	vmul.f32 v20, v20;
	v26 =	vadd.f32 v26, v27;
	v39 =	vadd.f32 v63, v37  }
0xae: {  	v40 =	vld.idx.msk [tilespmem:v6+s20+$0x0], $0xffff  }
0xaf: {  	v41 =	vmul.f32 v25, v25;
	v20 =	vadd.f32 v20, v26;
	v42 =	vadd.f32 v36, v39  }
0xb0: {  	v43 =	vld.idx.msk [tilespmem:v7+s20+$0x0], $0xffff  }
0xb1: {  	v44 =	vmul.f32 v24, v24;
	v20 =	vadd.f32 v41, v20;
	v45 =	vadd.f32 v38, v42  }
0xb2: {  	v46 =	vld.idx.msk [tilespmem:v8+s20+$0x0], $0xffff  }
0xb3: {  	v47 =	vmul.f32 v22, v22;
	v20 =	vadd.f32 v44, v20;
	v48 =	vadd.f32 v40, v45  }
0xb4: {  	v49 =	vld.idx.msk [tilespmem:v9+s20+$0x0], $0xffff  }
0xb5: {  	v50 =	vmul.f32 v21, v21;
	v20 =	vadd.f32 v47, v20;
	v51 =	vadd.f32 v43, v48  }
0xb6: {  	v52 =	vld.idx.msk [tilespmem:v10+s20+$0x0], $0xffff  }
0xb7: {  	v53 =	vmul.f32 v23, v23;
	v20 =	vadd.f32 v50, v20;
	v54 =	vadd.f32 v46, v51  }
0xb8: {  	v55 =	vld.idx.msk [tilespmem:v11+s20+$0x0], $0xffff  }
0xb9: {  	v56 =	vmul.f32 v30, v30;
	v20 =	vadd.f32 v53, v20;
	v21 =	vadd.f32 v49, v54  }
0xba: {  	v57 =	vld.idx.msk [tilespmem:v12+s20+$0x0], $0xffff  }
0xbb: {  	v58 =	vmul.f32 v29, v29;
	v20 =	vadd.f32 v56, v20;
	v21 =	vadd.f32 v52, v21  }
0xbc: {  	v59 =	vld.idx.msk [tilespmem:v13+s20+$0x0], $0xffff  }
0xbd: {  	v16 =	vmul.f32 v16, v16;
	v20 =	vadd.f32 v58, v20;
	v21 =	vadd.f32 v55, v21  }
0xbe: {  	v60 =	vld.idx.msk [tilespmem:v14+s20+$0x0], $0xffff  }
0xbf: {  	v16 =	vadd.f32 v16, v20;
	v61 =	vmul.f32 v32, v32;
	v62 =	vadd.f32 v57, v21  }
0xc0: {  	v63 =	vld.idx.msk [tilespmem:v15+s20+$0x0], $0xffff  }
0xc1: {  	s25 =	sshll.u32 s13, $0x4;
	s13 =	sadd.s32 $0x1, s13;
	v18 =	vmul.f32 v18, v18;
	v16 =	vadd.f32 v61, v16;
	v20 =	vadd.f32 v59, v62  }
0xc2: {  	p0 =	sne.s32 s13, $0x20  }
.Ltmp1:
0xc3: {  	v19 =	vmul.f32 v19, v19;
	v16 =	vadd.f32 v18, v16;
	v18 =	vadd.f32 v60, v20;
	(pc) =	sbr.rel @p0 .LBB2_2-.Ltmp1, $4  }
0xc4: {  	_ = 	snop  }
0xc5: {  	v17 =	vmul.f32 v17, v17;
	v16 =	vadd.f32 v19, v16;
	v18 =	vadd.f32 v63, v18  }
0xc6: {  	s14 =	sand.u32 $0x3FFFFFF0, s25  }
0xc7: {  	s12 =	sadd.s32 $0x400, s12;
	s22 =	sadd.s32 $0x400, s22;
	s11 =	sadd.s32 $0x400, s11;
	v16 =	vadd.f32 v17, v16;
	[tilespmem:s14+$0x18600] =	vst v18  }
0xc8: {  	s11 =	simm.s32 $0x0;
	s12 =	rddreg [dreg:$0x5]  }
0xc9: {  	[hbm4b:s12+s11] =	stream.linear.scatter [tilespmem:s10], [sflag:$0x2], $0x200, $0x38;
	[tilespmem:$0x18910] =	vst v63  }
0xca: {  	_ =	swait.ge [sflag:s15], $0x200  }
0xcb: {  	[sflag:s15] =	ssyncset.done $0x0  }
0xcc: {  	s24 =	rddreg [dreg:$0x6];
	[sflag:s15] =	ssyncadd.s32 $0xFFFFFE00  }
0xcd: {  	[tilespmem:s11], [sflag:$0x2] =	stream.linear.gather [hbm4b:s24+s11], $0x200, $0x38;
	[tilespmem:$0x18910] =	vst v63  }
0xce: {  	_ =	swait.ge [sflag:s15], $0x200  }
0xcf: {  	[sflag:s15] =	ssyncset.done $0x0  }
0xd0: {  	s25 =	rddreg [dreg:$0x7];
	[sflag:s15] =	ssyncadd.s32 $0xFFFFFE00  }
0xd1: {  	[tilespmem:s16], [sflag:$0x2] =	stream.linear.gather [hbm4b:s25+s11], $0x200, $0x38;
	[tilespmem:$0x18910] =	vst v63  }
0xd2: {  	_ =	swait.ge [sflag:s15], $0x200  }
0xd3: {  	[sflag:s15] =	ssyncset.done $0x0  }
0xd4: {  	s13 =	rddreg [dreg:$0x8];
	[sflag:s15] =	ssyncadd.s32 $0xFFFFFE00  }
0xd5: {  	[tilespmem:s17], [sflag:$0x2] =	stream.linear.gather [hbm4b:s13+s11], $0x200, $0x38;
	[tilespmem:$0x18910] =	vst v63  }
0xd6: {  	_ =	swait.ge [sflag:s15], $0x200  }
0xd7: {  	[sflag:s15] =	ssyncset.done $0x0  }
0xd8: {  	s14 =	simm.s32 $0x600;
	[sflag:s15] =	ssyncadd.s32 $0xFFFFFE00  }
0xd9: {  	[tilespmem:s14], [sflag:$0x1] =	stream.indirect.gather [hbm4b:s3+s18], $0x40, s11, s18, $0xb8;
	[tilespmem:$0x18910] =	vst v63  }
0xda: {  	s22 =	simm.s32 $0x8600  }
0xdb: {  	[tilespmem:s22], [sflag:$0x1] =	stream.indirect.gather [hbm4b:s3+s18], $0x40, s16, s18, $0xb8;
	[tilespmem:$0x18910] =	vst v63  }
0xdc: {  	s12 =	simm.s32 $0x10600  }
0xdd: {  	[tilespmem:s12], [sflag:$0x1] =	stream.indirect.gather [hbm4b:s4+s18], $0x40, s17, s18, $0xb8;
	[tilespmem:$0x18910] =	vst v63  }
0xde: {  	s13 =	simm.s32 $0x2600  }
0xdf: {  	[tilespmem:s13], [sflag:$0x1] =	stream.indirect.gather [hbm4b:s3+s18], $0x40, s18, s18, $0xb8;
	[tilespmem:$0x18910] =	vst v63  }
0xe0: {  	s23 =	simm.s32 $0x280;
	s14 =	simm.s32 $0xA600  }
0xe1: {  	[tilespmem:s14], [sflag:$0x1] =	stream.indirect.gather [hbm4b:s3+s18], $0x40, s23, s18, $0xb8;
	[tilespmem:$0x18910] =	vst v63  }
0xe2: {  	s24 =	simm.s32 $0x480;
	s25 =	simm.s32 $0x12600  }
0xe3: {  	[tilespmem:s25], [sflag:$0x1] =	stream.indirect.gather [hbm4b:s4+s18], $0x40, s24, s18, $0xb8;
	[tilespmem:$0x18910] =	vst v63  }
0xe4: {  	_ = 	snop  }
0xe5: {  	[tilespmem:s28], [sflag:$0x1] =	stream.indirect.gather [hbm4b:s3+s18], $0x40, s26, s18, $0xb8;
	[tilespmem:$0x18910] =	vst v63  }
0xe6: {  	_ = 	snop  }
0xe7: {  	[tilespmem:s30], [sflag:$0x1] =	stream.indirect.gather [hbm4b:s3+s18], $0x40, s29, s18, $0xb8;
	[tilespmem:$0x18910] =	vst v63  }
0xe8: {  	_ = 	snop  }
0xe9: {  	[tilespmem:s0], [sflag:$0x1] =	stream.indirect.gather [hbm4b:s4+s18], $0x40, s31, s18, $0xb8;
	[tilespmem:$0x18910] =	vst v63  }
0xea: {  	_ = 	snop  }
0xeb: {  	[tilespmem:s5], [sflag:$0x1] =	stream.indirect.gather [hbm4b:s3+s18], $0x40, s2, s18, $0xb8;
	[tilespmem:$0x18910] =	vst v63  }
0xec: {  	_ = 	snop  }
0xed: {  	[tilespmem:s7], [sflag:$0x1] =	stream.indirect.gather [hbm4b:s3+s18], $0x40, s6, s18, $0xb8;
	[tilespmem:$0x18910] =	vst v63  }
0xee: {  	_ = 	snop  }
0xef: {  	[tilespmem:s19], [sflag:$0x1] =	stream.indirect.gather [hbm4b:s4+s18], $0x40, s8, s18, $0xb8;
	[tilespmem:$0x18910] =	vst v63  }
0xf0: {  	_ =	swait.ge [sflag:s9], $0x2000  }
0xf1: {  	[sflag:s9] =	ssyncset.done $0x0  }
0xf2: {  	[sflag:s9] =	ssyncadd.s32 $0xFFFFE000  }
0xf3: {  	_ =	swait.ge [sflag:s9], $0x2000  }
0xf4: {  	[sflag:s9] =	ssyncset.done $0x0  }
0xf5: {  	[sflag:s9] =	ssyncadd.s32 $0xFFFFE000  }
0xf6: {  	_ =	swait.ge [sflag:s9], $0x2000  }
0xf7: {  	[sflag:s9] =	ssyncset.done $0x0  }
0xf8: {  	[sflag:s9] =	ssyncadd.s32 $0xFFFFE000  }
0xf9: {  	_ =	swait.ge [sflag:s9], $0x2000  }
0xfa: {  	[sflag:s9] =	ssyncset.done $0x0  }
0xfb: {  	[sflag:s9] =	ssyncadd.s32 $0xFFFFE000  }
0xfc: {  	_ =	swait.ge [sflag:s9], $0x2000  }
0xfd: {  	[sflag:s9] =	ssyncset.done $0x0  }
0xfe: {  	[sflag:s9] =	ssyncadd.s32 $0xFFFFE000  }
0xff: {  	_ =	swait.ge [sflag:s9], $0x2000  }
0x100: {  	[sflag:s9] =	ssyncset.done $0x0  }
0x101: {  	[sflag:s9] =	ssyncadd.s32 $0xFFFFE000  }
0x102: {  	_ =	swait.ge [sflag:s9], $0x2000  }
0x103: {  	[sflag:s9] =	ssyncset.done $0x0  }
0x104: {  	[sflag:s9] =	ssyncadd.s32 $0xFFFFE000  }
0x105: {  	_ =	swait.ge [sflag:s9], $0x2000  }
0x106: {  	[sflag:s9] =	ssyncset.done $0x0  }
0x107: {  	[sflag:s9] =	ssyncadd.s32 $0xFFFFE000  }
0x108: {  	_ =	swait.ge [sflag:s9], $0x2000  }
0x109: {  	[sflag:s9] =	ssyncset.done $0x0  }
0x10a: {  	[sflag:s9] =	ssyncadd.s32 $0xFFFFE000  }
0x10b: {  	_ =	swait.ge [sflag:s9], $0x2000  }
0x10c: {  	[sflag:s9] =	ssyncset.done $0x0  }
0x10d: {  	[sflag:s9] =	ssyncadd.s32 $0xFFFFE000  }
0x10e: {  	_ =	swait.ge [sflag:s9], $0x2000  }
0x10f: {  	[sflag:s9] =	ssyncset.done $0x0  }
0x110: {  	[sflag:s9] =	ssyncadd.s32 $0xFFFFE000  }
0x111: {  	_ =	swait.ge [sflag:s9], $0x2000  }
0x112: {  	[sflag:s9] =	ssyncset.done $0x0  }
0x113: {  	s22 =	simm.s32 $0x630;
	s13 =	simm.s32 $0x8630;
	[sflag:s9] =	ssyncadd.s32 $0xFFFFE000  }
.LBB2_6:
0x114: {  	v19 =	vmov s13  }
0x115: {  	v17 =	vmov s12  }
0x116: {  	v18 =	vmov s22;
	_ =	sdelay $0x1  }
0x117: {  	s14 =	simm.s32 $0x0  }
0x118: {  	v21 =	vld.idx.msk [tilespmem:v19+s14+$0xFFFFFFF0 ss:$0x1], $0xffff  }
0x119: {  	v22 =	vld.idx.msk [tilespmem:v17+s14+$0x0 ss:$0x1], $0xffff  }
0x11a: {  	v23 =	vld.idx.msk [tilespmem:v18+s14+$0xFFFFFFE0 ss:$0x1], $0xffff  }
0x11b: {  	v20 =	vld.idx.msk [tilespmem:v19+s14+$0xFFFFFFD0 ss:$0x1], $0xffff  }
0x11c: {  	v24 =	vld.idx.msk [tilespmem:v18+s14+$0xFFFFFFD0 ss:$0x1], $0xffff  }
0x11d: {  	v25 =	vld.idx.msk [tilespmem:v19+s14+$0xFFFFFFE0 ss:$0x1], $0xffff  }
0x11e: {  	v26 =	vld.idx.msk [tilespmem:v18+s14+$0xFFFFFFF0 ss:$0x1], $0xffff  }
0x11f: {  	v29 =	vld.idx.msk [tilespmem:v19+s14+$0x0 ss:$0x1], $0xffff  }
0x120: {  	v27 =	vld.idx.msk [tilespmem:v17+s14+$0x10 ss:$0x1], $0xffff  }
0x121: {  	v28 =	vld.idx.msk [tilespmem:v18+s14+$0x0 ss:$0x1], $0xffff;
	v30 =	vmul.f32 v20, v24;
	v24 =	vmul.f32 v24, v24  }
0x122: {  	v31 =	vld.idx.msk [tilespmem:v17+s14+$0x20 ss:$0x1], $0xffff;
	v32 =	vmul.f32 v20, v20  }
0x123: {  	v33 =	vmul.f32 v25, v23;
	v30 =	vmul.f32 v22, v30;
	v16 =	vadd.f32 v24, v16  }
0x124: {  	v20 =	vld.idx.msk [tilespmem:v17+s14+$0x30 ss:$0x1], $0xffff;
	v24 =	vmul.f32 v21, v26;
	v22 =	vmul.f32 v22, v22  }
0x125: {  	v62 =	vmul.f32 v27, v33;
	v30 =	vadd.f32 $0.0e+00, v30;
	v16 =	vadd.f32 v32, v16  }
0x126: {  	v23 =	vmul.f32 v23, v23;
	v63 =	vmul.f32 v29, v28  }
0x127: {  	v24 =	vmul.f32 v31, v24;
	v16 =	vadd.f32 v22, v16;
	v22 =	vadd.f32 v62, v30  }
0x128: {  	v25 =	vmul.f32 v25, v25  }
0x129: {  	v16 =	vadd.f32 v23, v16;
	v22 =	vadd.f32 v24, v22;
	v23 =	vmul.f32 v20, v63;
	_ =	sdelay $0x1  }
0x12a: {  	v24 =	vmul.f32 v27, v27;
	v16 =	vadd.f32 v25, v16;
	v22 =	vadd.f32 v23, v22  }
0x12b: {  	s23 =	simm.s32 $0x18800  }
0x12c: {  	s24 =	simm.s32 $0x40;
	v23 =	vmul.f32 v26, v26;
	v24 =	vadd.f32 v24, v16;
	[tilespmem:s23+$0x0] =	vst v22  }
0x12d: {  	v16 =	vld.idx.msk [tilespmem:v19+s24+$0xFFFFFFF0 ss:$0x1], $0xffff  }
0x12e: {  	v25 =	vmul.f32 v21, v21;
	v22 =	vld.idx.msk [tilespmem:v17+s24+$0x0 ss:$0x1], $0xffff;
	v23 =	vadd.f32 v23, v24  }
0x12f: {  	v21 =	vld.idx.msk [tilespmem:v18+s24+$0xFFFFFFE0 ss:$0x1], $0xffff  }
0x130: {  	v26 =	vmul.f32 v31, v31;
	v24 =	vld.idx.msk [tilespmem:v19+s24+$0xFFFFFFD0 ss:$0x1], $0xffff;
	v23 =	vadd.f32 v25, v23  }
0x131: {  	v25 =	vld.idx.msk [tilespmem:v18+s24+$0xFFFFFFD0 ss:$0x1], $0xffff  }
0x132: {  	s14 =	simm.s32 $0x200;
	v27 =	vmul.f32 v28, v28;
	v28 =	vadd.f32 v26, v23;
	v23 =	vld.idx.msk [tilespmem:v19+s24+$0xFFFFFFE0 ss:$0x1], $0xffff;
	v26 =	vmul.f32 v29, v29  }
.LBB2_7:
0x133: {  	p0 =	sne.s32 s14, $0xF00  }
0x134: {  	v29 =	vld.idx.msk [tilespmem:v18+s24+$0xFFFFFFF0 ss:$0x1], $0xffff;
	v27 =	vadd.f32 v27, v28;
	s23 =	sadd.s32 $0x10, s23;
	s25 =	smov.u32 s14;
	s14 =	sadd.s32 $0x100, s14  }
0x135: {  	v20 =	vmul.f32 v20, v20;
	v30 =	vld.idx.msk [tilespmem:v19+s24+$0x0 ss:$0x1], $0xffff  }
0x136: {  	v28 =	vld.idx.msk [tilespmem:v17+s24+$0x10 ss:$0x1], $0xffff;
	v26 =	vadd.f32 v26, v27  }
0x137: {  	v27 =	vld.idx.msk [tilespmem:v18+s24+$0x0 ss:$0x1], $0xffff  }
0x138: {  	v31 =	vmul.f32 v24, v25;
	v25 =	vmul.f32 v25, v25;
	v32 =	vld.idx.msk [tilespmem:v17+s24+$0x20 ss:$0x1], $0xffff;
	v20 =	vadd.f32 v20, v26  }
0x139: {  	v24 =	vmul.f32 v24, v24;
	v26 =	vmul.f32 v23, v21  }
0x13a: {  	v31 =	vmul.f32 v22, v31;
	v33 =	vmul.f32 v16, v29;
	v25 =	vadd.f32 v25, v20;
	v20 =	vld.idx.msk [tilespmem:v17+s24+$0x30 ss:$0x1], $0xffff  }
0x13b: {  	v22 =	vmul.f32 v22, v22  }
0x13c: {  	v31 =	vadd.f32 $0.0e+00, v31;
	v24 =	vadd.f32 v24, v25;
	v25 =	vmul.f32 v28, v26  }
0x13d: {  	v21 =	vmul.f32 v21, v21;
	v26 =	vmul.f32 v30, v27  }
0x13e: {  	v22 =	vadd.f32 v22, v24;
	v24 =	vadd.f32 v25, v31;
	v25 =	vmul.f32 v32, v33  }
0x13f: {  	v23 =	vmul.f32 v23, v23  }
0x140: {  	v21 =	vadd.f32 v21, v22;
	v22 =	vadd.f32 v25, v24;
	v24 =	vmul.f32 v20, v26  }
0x141: {  	v25 =	vmul.f32 v28, v28  }
0x142: {  	v21 =	vadd.f32 v23, v21;
	v22 =	vadd.f32 v24, v22  }
0x143: {  	v23 =	vmul.f32 v29, v29  }
0x144: {  	v21 =	vadd.f32 v25, v21;
	[tilespmem:s23+$0x0] =	vst v22  }
0x145: {  	s24 =	sshra.s32 s25, $0x2;
	v24 =	vmul.f32 v16, v16  }
0x146: {  	v16 =	vld.idx.msk [tilespmem:v19+s24+$0xFFFFFFF0 ss:$0x1], $0xffff;
	v23 =	vadd.f32 v23, v21  }
.Ltmp2:
0x147: {  	v26 =	vmul.f32 v32, v32;
	v22 =	vld.idx.msk [tilespmem:v17+s24+$0x0 ss:$0x1], $0xffff;
	(pc) =	sbr.rel @p0 .LBB2_7-.Ltmp2, $4  }
0x148: {  	v21 =	vld.idx.msk [tilespmem:v18+s24+$0xFFFFFFE0 ss:$0x1], $0xffff;
	v23 =	vadd.f32 v24, v23  }
0x149: {  	v27 =	vmul.f32 v27, v27;
	v24 =	vld.idx.msk [tilespmem:v19+s24+$0xFFFFFFD0 ss:$0x1], $0xffff  }
0x14a: {  	v25 =	vld.idx.msk [tilespmem:v18+s24+$0xFFFFFFD0 ss:$0x1], $0xffff;
	v28 =	vadd.f32 v26, v23  }
0x14b: {  	v26 =	vmul.f32 v30, v30;
	v23 =	vld.idx.msk [tilespmem:v19+s24+$0xFFFFFFE0 ss:$0x1], $0xffff  }
0x14c: {  	_ =	sdelay $0x3  }
0x14d: {  	v29 =	vld.idx.msk [tilespmem:v18+s24+$0xFFFFFFF0 ss:$0x1], $0xffff  }
0x14e: {  	v19 =	vld.idx.msk [tilespmem:v19+s24+$0x0 ss:$0x1], $0xffff  }
0x14f: {  	v30 =	vld.idx.msk [tilespmem:v17+s24+$0x10 ss:$0x1], $0xffff  }
0x150: {  	v18 =	vld.idx.msk [tilespmem:v18+s24+$0x0 ss:$0x1], $0xffff;
	v31 =	vmul.f32 v24, v25  }
0x151: {  	v32 =	vld.idx.msk [tilespmem:v17+s24+$0x20 ss:$0x1], $0xffff  }
0x152: {  	v33 =	vmul.f32 v23, v21;
	v31 =	vmul.f32 v22, v31  }
0x153: {  	v17 =	vld.idx.msk [tilespmem:v17+s24+$0x30 ss:$0x1], $0xffff  }
0x154: {  	v34 =	vmul.f32 v16, v29;
	v33 =	vmul.f32 v30, v33;
	v31 =	vadd.f32 $0.0e+00, v31;
	_ =	sdelay $0x1  }
0x155: {  	v35 =	vmul.f32 v19, v18;
	v59 =	vmul.f32 v32, v34;
	v31 =	vadd.f32 v33, v31;
	_ =	sdelay $0x1  }
0x156: {  	v60 =	vmul.f32 v17, v35;
	v31 =	vadd.f32 v59, v31;
	_ =	sdelay $0x1  }
0x157: {  	v31 =	vadd.f32 v60, v31  }
0x158: {  	s14 =	sadd.s32 $0x10, s23  }
0x159: {  	[tilespmem:s14+$0x0] =	vst v31  }
0x15a: {  	v31 =	vld.idx.msk [tilespmem:v0+s20+$0x0], $0xffff;
	_ =	sdelay $0x1  }
0x15b: {  	v61 =	vld.idx.msk [tilespmem:v1+s20+$0x0], $0xffff;
	_ =	sdelay $0x1  }
0x15c: {  	v62 =	vld.idx.msk [tilespmem:v2+s20+$0x0], $0xffff  }
0x15d: {  	v31 =	vadd.f32 $0.0e+00, v31  }
0x15e: {  	v63 =	vld.idx.msk [tilespmem:v3+s20+$0x0], $0xffff  }
0x15f: {  	v31 =	vadd.f32 v61, v31  }
0x160: {  	v36 =	vld.idx.msk [tilespmem:v4+s20+$0x0], $0xffff  }
0x161: {  	v27 =	vadd.f32 v27, v28;
	v37 =	vadd.f32 v62, v31  }
0x162: {  	v38 =	vld.idx.msk [tilespmem:v5+s20+$0x0], $0xffff  }
0x163: {  	v20 =	vmul.f32 v20, v20;
	v26 =	vadd.f32 v26, v27;
	v39 =	vadd.f32 v63, v37  }
0x164: {  	v40 =	vld.idx.msk [tilespmem:v6+s20+$0x0], $0xffff  }
0x165: {  	v41 =	vmul.f32 v25, v25;
	v20 =	vadd.f32 v20, v26;
	v42 =	vadd.f32 v36, v39  }
0x166: {  	v43 =	vld.idx.msk [tilespmem:v7+s20+$0x0], $0xffff  }
0x167: {  	v44 =	vmul.f32 v24, v24;
	v20 =	vadd.f32 v41, v20;
	v45 =	vadd.f32 v38, v42  }
0x168: {  	v46 =	vld.idx.msk [tilespmem:v8+s20+$0x0], $0xffff  }
0x169: {  	v47 =	vmul.f32 v22, v22;
	v20 =	vadd.f32 v44, v20;
	v48 =	vadd.f32 v40, v45  }
0x16a: {  	v49 =	vld.idx.msk [tilespmem:v9+s20+$0x0], $0xffff  }
0x16b: {  	v50 =	vmul.f32 v21, v21;
	v20 =	vadd.f32 v47, v20;
	v51 =	vadd.f32 v43, v48  }
0x16c: {  	v52 =	vld.idx.msk [tilespmem:v10+s20+$0x0], $0xffff  }
0x16d: {  	v53 =	vmul.f32 v23, v23;
	v20 =	vadd.f32 v50, v20;
	v54 =	vadd.f32 v46, v51  }
0x16e: {  	v55 =	vld.idx.msk [tilespmem:v11+s20+$0x0], $0xffff  }
0x16f: {  	v56 =	vmul.f32 v30, v30;
	v20 =	vadd.f32 v53, v20;
	v21 =	vadd.f32 v49, v54  }
0x170: {  	v57 =	vld.idx.msk [tilespmem:v12+s20+$0x0], $0xffff  }
0x171: {  	v58 =	vmul.f32 v29, v29;
	v20 =	vadd.f32 v56, v20;
	v21 =	vadd.f32 v52, v21  }
0x172: {  	v59 =	vld.idx.msk [tilespmem:v13+s20+$0x0], $0xffff  }
0x173: {  	v16 =	vmul.f32 v16, v16;
	v20 =	vadd.f32 v58, v20;
	v21 =	vadd.f32 v55, v21  }
0x174: {  	v60 =	vld.idx.msk [tilespmem:v14+s20+$0x0], $0xffff  }
0x175: {  	v16 =	vadd.f32 v16, v20;
	v61 =	vmul.f32 v32, v32;
	v62 =	vadd.f32 v57, v21  }
0x176: {  	v63 =	vld.idx.msk [tilespmem:v15+s20+$0x0], $0xffff  }
0x177: {  	s25 =	sshll.u32 s11, $0x4;
	s11 =	sadd.s32 $0x1, s11;
	v18 =	vmul.f32 v18, v18;
	v16 =	vadd.f32 v61, v16;
	v20 =	vadd.f32 v59, v62  }
0x178: {  	p0 =	sne.s32 s11, $0x20  }
.Ltmp3:
0x179: {  	v19 =	vmul.f32 v19, v19;
	v16 =	vadd.f32 v18, v16;
	v18 =	vadd.f32 v60, v20;
	(pc) =	sbr.rel @p0 .LBB2_6-.Ltmp3, $4  }
0x17a: {  	_ = 	snop  }
0x17b: {  	v17 =	vmul.f32 v17, v17;
	v16 =	vadd.f32 v19, v16;
	v18 =	vadd.f32 v63, v18  }
0x17c: {  	s14 =	sand.u32 $0x3FFFFFF0, s25  }
0x17d: {  	s22 =	sadd.s32 $0x400, s22;
	s13 =	sadd.s32 $0x400, s13;
	s12 =	sadd.s32 $0x400, s12;
	v16 =	vadd.f32 v17, v16;
	[tilespmem:s14+$0x18600] =	vst v18  }
0x17e: {  	s11 =	rddreg [dreg:$0x9]  }
0x17f: {  	[hbm4b:s11+s1] =	stream.linear.scatter [tilespmem:s10], [sflag:$0x2], $0x200, $0x38;
	[tilespmem:$0x18910] =	vst v63  }
0x180: {  	_ =	swait.ge [sflag:s15], $0x200  }
0x181: {  	[sflag:s15] =	ssyncset.done $0x0  }
0x182: {  	[sflag:s15] =	ssyncadd.s32 $0xFFFFFE00  }
0x183: {  	s12 =	simm.s32 $0x18900;
	s24 =	rddreg [dreg:$0xa];
	[tilespmem:$0x18900] =	vst v16  }
0x184: {  	[hbm4b:s24+s1] =	stream.linear.scatter [tilespmem:s12], [sflag:$0x2], $0x10, $0x38;
	[tilespmem:$0x18910] =	vst v63  }
0x185: {  	_ =	swait.ge [sflag:s15], $0x10  }
0x186: {  	s21 =	sadd.s32 $0x1, s21;
	s25 =	rddreg [dreg:$0xb]  }
0x187: {  	p0 =	sne.s32 s21, s25  }
.Ltmp4:
0x188: {  	_ = 	snop;
	(pc) =	sbr.rel @p0 .LBB2_1-.Ltmp4, $3  }
0x189: {  	_ =	sdelay $0x1  }
0x18a: {  	[sflag:s15] =	ssyncset.done $0x0  }
0x18b: {  	[sflag:s15] =	ssyncadd.s32 $0xFFFFFFF0  }
0x18c: {  	_ =	sfence.sel $0x180000  }
0x18d: {  	[bflag:$0x0] =	sbarrier.arrive $0xFFFF  }
0x18e: {  	_ =	strace $0x90000047  }
0x18f: {  	s0 =	stileid.u32;
	[bflag:$0x2] =	sbarrier.arrive $0xFFFF  }
0x190: {  	p0 =	sne.s32 s0, $0x0;
	s0 =	rddreg [dreg:$0x1]  }
0x191: {  	s0 =	sadd.s32 @!p0 $0x100000, s0  }
0x192: {  	[sflag:s0] =	ssyncadd.tile.s32 @!p0 $0x1;
	_ =	shalt  }
.Lfunc_end2:
_tile_overlayer_lowered:
.L_overlay_start_2:
0x193: {  	(tag) =	ssettag $0x2  }
0x194: {  	s0 =	rddreg [dreg:$0x0];
	s2 =	stileid.u32  }
0x195: {  	s1 =	rddreg [dreg:$0x1];
	p0 =	sne.s32 s2, $0x0  }
0x196: {  	s3 =	rddreg [dreg:$0x2];
	[bflag:$0x3] =	sbarrier.arrive $0xFFFF;
	s2 =	simm.s32 @!p0 $0x1C02  }
0x197: {  	[timem:s3], [sflag:s2] =	dma.local @!p0 [hbm:s0], s1  }
0x198: {  	s0 =	simm.s32 @!p0 $0x2  }
0x199: {  	_ =	swait.ge @!p0 [sflag:s0], s1  }
0x19a: {  	s1 =	ssub.s32 @!p0 $0x0, s1;
	[sflag:s0] =	ssyncset.done @!p0 $0x0  }
0x19b: {  	[sflag:s0] =	ssyncadd.s32 @!p0 s1  }
0x19c: {  	[bflag:$0x3] =	sbarrier.arrive $0xFFFF  }
0x19d: {  	_ =	shalt  }

</sc_bundles>
